<compile_context>
chip_gen: v7x
topology: tpu7x:2x2x1
jax: 0.10.2.dev20260603
libtpu: 0.0.44.dev20260713+nightly
codegen_flags: <defaults>
</compile_context>

<pallas_src>
import jax
import jax.numpy as jnp
import numpy as np
from jax import lax
from jax.experimental import pallas as pl
from jax.experimental.pallas import tpu as pltpu
from jax.experimental.pallas import tpu_sc as plsc

BN, BC = 64, 768
CELLS_IN = 16
NUM_WORKERS = 32
N_PER_W = BN // NUM_WORKERS
CB = 128
NCH = BC // CB
LANES = 16

_TAB = np.zeros(128, dtype=np.int32)
for _v in range(120):
    _TAB[_v] = (_v % 30) * 4 + _v // 30


def _unpool_body(x_hbm, idx_hbm, ptab_hbm, out_hbm,
                 xb0, xb1, ib0, ib1, ob0, ob1, tbd,
                 sx0, sx1, si0, si1, so0, so1):
    wid = lax.axis_index("s") * 2 + lax.axis_index("c")
    pltpu.sync_copy(ptab_hbm, tbd)

    lanes = lax.iota(jnp.int32, LANES)
    zeros = jnp.zeros((LANES,), jnp.float32)
    bufs = ((xb0, ib0, ob0, sx0, si0, so0, wid * N_PER_W),
            (xb1, ib1, ob1, sx1, si1, so1, wid * N_PER_W + 1))

    def issue_in(ch, b):
        xb, ib, _, sx, si, _, n = bufs[b]
        c0 = ch * CB
        pltpu.async_copy(x_hbm.at[n, :, :, :, pl.ds(c0, CB)], xb, sx)
        pltpu.async_copy(idx_hbm.at[n, :, :, :, pl.ds(c0, CB)], ib, si)

    for b in range(2):
        issue_in(0, b)

    @pl.loop(0, NCH)
    def _ch(ch):
        c0 = ch * CB
        for b in range(2):
            xb, ib, ob, sx, si, so, n = bufs[b]

            @pl.when(ch > 0)
            def _():
                pltpu.make_async_copy(ob, out_hbm.at[n, :, :, pl.ds(c0, CB)], so).wait()

            @plsc.parallel_loop(0, 30, step=1, unroll=2)
            def _zero(r):
                for d in range(4):
                    for k in range(CB // LANES):
                        ob[r, d, pl.ds(k * LANES, LANES)] = zeros

            pltpu.make_async_copy(x_hbm.at[n, :, :, :, pl.ds(c0, CB)], xb, sx).wait()
            pltpu.make_async_copy(idx_hbm.at[n, :, :, :, pl.ds(c0, CB)], ib, si).wait()

            xb2 = xb.reshape(CELLS_IN, CB)
            ib2 = ib.reshape(CELLS_IN, CB)
            ob2 = ob.reshape(30 * 4, CB)

            @plsc.parallel_loop(0, CB, step=LANES, unroll=4)
            def _sc(c):
                cols = lanes + c
                for p in range(CELLS_IN):
                    vals = xb2[p, pl.ds(c, LANES)]
                    idxv = ib2[p, pl.ds(c, LANES)]
                    rowv = plsc.load_gather(tbd, [idxv])
                    plsc.store_scatter(ob2, [rowv, cols], vals)

            @pl.when(ch < NCH - 1)
            def _():
                issue_in(ch + 1, b)

            pltpu.async_copy(ob, out_hbm.at[n, :, :, pl.ds(c0, CB)], so)

    for b in range(2):
        xb, ib, ob, sx, si, so, n = bufs[b]
        pltpu.make_async_copy(ob, out_hbm.at[n, :, :, pl.ds((NCH - 1) * CB, CB)], so).wait()


@jax.jit
def _unpool(x5, i5, ptab):
    mesh = plsc.VectorSubcoreMesh(core_axis_name="c", subcore_axis_name="s")
    return pl.kernel(
        _unpool_body,
        out_type=jax.ShapeDtypeStruct((BN, 30, 4, BC), jnp.float32),
        mesh=mesh,
        scratch_types=[
            pltpu.VMEM((2, 2, 4, CB), jnp.float32),
            pltpu.VMEM((2, 2, 4, CB), jnp.float32),
            pltpu.VMEM((2, 2, 4, CB), jnp.int32),
            pltpu.VMEM((2, 2, 4, CB), jnp.int32),
            pltpu.VMEM((30, 4, CB), jnp.float32),
            pltpu.VMEM((30, 4, CB), jnp.float32),
            pltpu.VMEM((128,), jnp.int32),
            pltpu.SemaphoreType.DMA,
            pltpu.SemaphoreType.DMA,
            pltpu.SemaphoreType.DMA,
            pltpu.SemaphoreType.DMA,
            pltpu.SemaphoreType.DMA,
            pltpu.SemaphoreType.DMA,
        ],
        compiler_params=pltpu.CompilerParams(
            needs_layout_passes=False,
            disable_bounds_checks=True,
        ),
    )(x5, i5, ptab)


def kernel(x, indices):
    x5 = jnp.transpose(x, (0, 2, 3, 4, 1))
    i5 = jnp.transpose(indices.astype(jnp.int32), (0, 2, 3, 4, 1))
    out4 = _unpool(x5, i5, jnp.asarray(_TAB))
    out5 = out4.reshape(BN, 5, 6, 4, BC)
    return jnp.transpose(out5, (0, 4, 3, 1, 2))

# --- scband reference (transcript-rebuilt; emitter-appended) ---
"""Pipeline reference for scband-max-unpool3d-module-21122649162104 (READ-ONLY COPY).

The authoritative reference and input builder live on the scoring server;
editing this copy changes nothing except your own understanding.
"""

import jax, jax.numpy as jnp
import numpy as np

N, C = 64, 768
IN_SPATIAL = (2, 2, 4)
OUT_SPATIAL = (4, 5, 6)


def setup_inputs(seed: int = 0) -> dict:
    key = jax.random.key(seed)
    k1, k2 = jax.random.split(key)
    x = jax.random.normal(k1, (N, C) + IN_SPATIAL, dtype=jnp.float32)
    # max_unpool indices are flat offsets into the (D*H*W)=120-cell output plane
    indices = jax.random.randint(k2, (N, C) + IN_SPATIAL, 0, 120, dtype=jnp.int32).astype(jnp.int64)
    return {"x": x, "indices": indices}


def reference(x, indices):
    # Faithful translation of torch.ops.aten.max_unpool3d(x, indices, (4,5,6), (2,3,2), (0,0,1)):
    # scatter each input value into a zero output volume of spatial size (4,5,6)
    # at the flat position given by `indices`, independently per (n, c) plane.
    D, H, W = OUT_SPATIAL
    n, c = x.shape[0], x.shape[1]
    ncells_in = x.shape[2] * x.shape[3] * x.shape[4]
    flat_x = x.reshape(n * c, ncells_in)
    flat_idx = indices.reshape(n * c, ncells_in)
    out = jnp.zeros((n * c, D * H * W), dtype=x.dtype)
    rows = jnp.arange(n * c)[:, None]
    out = out.at[rows, flat_idx].set(flat_x)  # scatter-overwrite, matching unpool semantics
    return out.reshape(n, c, D, H, W)

if __name__ == "__main__":
    import jax
    _d = setup_inputs()
    print(jax.jit(kernel)(*tuple(_d.values())))

</pallas_src>

<mosaic_0001>
#map = affine_map<(d0, d1) -> (0, 0, 0, 0, 0)>
#map1 = affine_map<(d0, d1) -> (0)>
#map2 = affine_map<(d0, d1) -> (0, 0, 0, 0)>
module attributes {stable_mosaic.version = 14 : i64} {
  func.func @_unpool_body(%arg0: i32, %arg1: i32, %arg2: memref<64x2x2x4x768xf32, #tpu.memory_space<hbm>>, %arg3: memref<64x2x2x4x768xi32, #tpu.memory_space<hbm>>, %arg4: memref<128xi32, #tpu.memory_space<hbm>>, %arg5: memref<64x30x4x768xf32, #tpu.memory_space<hbm>>, %arg6: memref<2x2x4x128xf32, #tpu.memory_space<vmem>>, %arg7: memref<2x2x4x128xf32, #tpu.memory_space<vmem>>, %arg8: memref<2x2x4x128xi32, #tpu.memory_space<vmem>>, %arg9: memref<2x2x4x128xi32, #tpu.memory_space<vmem>>, %arg10: memref<30x4x128xf32, #tpu.memory_space<vmem>>, %arg11: memref<30x4x128xf32, #tpu.memory_space<vmem>>, %arg12: memref<128xi32, #tpu.memory_space<vmem>>, %arg13: memref<!tpu.dma_semaphore, #tpu.memory_space<semaphore_mem>>, %arg14: memref<!tpu.dma_semaphore, #tpu.memory_space<semaphore_mem>>, %arg15: memref<!tpu.dma_semaphore, #tpu.memory_space<semaphore_mem>>, %arg16: memref<!tpu.dma_semaphore, #tpu.memory_space<semaphore_mem>>, %arg17: memref<!tpu.dma_semaphore, #tpu.memory_space<semaphore_mem>>, %arg18: memref<!tpu.dma_semaphore, #tpu.memory_space<semaphore_mem>>) attributes {dimension_semantics = [#tpu.dimension_semantics<core_parallel>, #tpu.dimension_semantics<subcore_parallel>], iteration_bounds = array<i64: 2, 16>, scalar_prefetch = 0 : i64, scratch_operands = 13 : i64, tpu.core_type = #tpu.core_type<sc_vector_subcore>, window_params = [{transform_indices = #map}, {transform_indices = #map}, {transform_indices = #map1}, {transform_indices = #map2}]} {
    %mul3A = arith.constant 2 : i32
    %mul3A_0 = arith.muli %arg1, %mul3A : i32
    %add3A = arith.addi %mul3A_0, %arg0 : i32
    "tpu.region"() ({
      %run_scoped3A = tpu.sem_alloc : memref<!tpu.dma_semaphore, #tpu.memory_space<semaphore_mem>>
      tpu.enqueue_dma source(%arg4 : memref<128xi32, #tpu.memory_space<hbm>>) target(%arg12 : memref<128xi32, #tpu.memory_space<vmem>>) target_semaphore(%run_scoped3A : memref<!tpu.dma_semaphore, #tpu.memory_space<semaphore_mem>>)
      tpu.wait_dma2 semaphore(%run_scoped3A : memref<!tpu.dma_semaphore, #tpu.memory_space<semaphore_mem>>) src(%arg4 : memref<128xi32, #tpu.memory_space<hbm>>) dst(%arg12 : memref<128xi32, #tpu.memory_space<vmem>>)
      tpu.yield
    }) : () -> ()
    %iota3A = tpu.iota {dimensions = array<i32: 0>} : vector<16xi32>
    %broadcast_in_dim3A = arith.constant 0.000000e+00 : f32
    %broadcast_in_dim3A_1 = vector.broadcast %broadcast_in_dim3A : f32 to vector<16xf32>
    %mul3A_2 = arith.constant 2 : i32
    %mul3A_3 = arith.muli %add3A, %mul3A_2 : i32
    %mul3A_4 = arith.constant 2 : i32
    %mul3A_5 = arith.muli %add3A, %mul3A_4 : i32
    %add3A_6 = arith.constant 1 : i32
    %add3A_7 = arith.addi %mul3A_5, %add3A_6 : i32
    %dma_start3A = arith.constant 0 : i32
    %dma_start3A_8 = arith.constant 0 : i32
    %dma_start3A_9 = arith.constant 0 : i32
    %dma_start3A_10 = arith.constant 0 : i32
    %dma_start3A_11 = tpu.memref_slice %arg2[%mul3A_3, %dma_start3A, %dma_start3A_8, %dma_start3A_9, %dma_start3A_10] : memref<64x2x2x4x768xf32, #tpu.memory_space<hbm>> -> memref<1x2x2x4x128xf32, #tpu.memory_space<hbm>>
    %dma_start3A_12 = tpu.memref_squeeze %dma_start3A_11 : memref<1x2x2x4x128xf32, #tpu.memory_space<hbm>> -> memref<2x2x4x128xf32, #tpu.memory_space<hbm>>
    %dma_start3A_13 = arith.constant 0 : i32
    %dma_start3A_14 = arith.constant 0 : i32
    %dma_start3A_15 = arith.constant 0 : i32
    %dma_start3A_16 = arith.constant 0 : i32
    %dma_start3A_17 = tpu.memref_slice %arg2[%mul3A_3, %dma_start3A_13, %dma_start3A_14, %dma_start3A_15, %dma_start3A_16] : memref<64x2x2x4x768xf32, #tpu.memory_space<hbm>> -> memref<1x2x2x4x128xf32, #tpu.memory_space<hbm>>
    %dma_start3A_18 = tpu.memref_squeeze %dma_start3A_17 : memref<1x2x2x4x128xf32, #tpu.memory_space<hbm>> -> memref<2x2x4x128xf32, #tpu.memory_space<hbm>>
    tpu.enqueue_dma source(%dma_start3A_18 : memref<2x2x4x128xf32, #tpu.memory_space<hbm>>) target(%arg6 : memref<2x2x4x128xf32, #tpu.memory_space<vmem>>) target_semaphore(%arg13 : memref<!tpu.dma_semaphore, #tpu.memory_space<semaphore_mem>>)
    %dma_start3A_19 = arith.constant 0 : i32
    %dma_start3A_20 = arith.constant 0 : i32
    %dma_start3A_21 = arith.constant 0 : i32
    %dma_start3A_22 = arith.constant 0 : i32
    %dma_start3A_23 = tpu.memref_slice %arg3[%mul3A_3, %dma_start3A_19, %dma_start3A_20, %dma_start3A_21, %dma_start3A_22] : memref<64x2x2x4x768xi32, #tpu.memory_space<hbm>> -> memref<1x2x2x4x128xi32, #tpu.memory_space<hbm>>
    %dma_start3A_24 = tpu.memref_squeeze %dma_start3A_23 : memref<1x2x2x4x128xi32, #tpu.memory_space<hbm>> -> memref<2x2x4x128xi32, #tpu.memory_space<hbm>>
    %dma_start3A_25 = arith.constant 0 : i32
    %dma_start3A_26 = arith.constant 0 : i32
    %dma_start3A_27 = arith.constant 0 : i32
    %dma_start3A_28 = arith.constant 0 : i32
    %dma_start3A_29 = tpu.memref_slice %arg3[%mul3A_3, %dma_start3A_25, %dma_start3A_26, %dma_start3A_27, %dma_start3A_28] : memref<64x2x2x4x768xi32, #tpu.memory_space<hbm>> -> memref<1x2x2x4x128xi32, #tpu.memory_space<hbm>>
    %dma_start3A_30 = tpu.memref_squeeze %dma_start3A_29 : memref<1x2x2x4x128xi32, #tpu.memory_space<hbm>> -> memref<2x2x4x128xi32, #tpu.memory_space<hbm>>
    tpu.enqueue_dma source(%dma_start3A_30 : memref<2x2x4x128xi32, #tpu.memory_space<hbm>>) target(%arg8 : memref<2x2x4x128xi32, #tpu.memory_space<vmem>>) target_semaphore(%arg15 : memref<!tpu.dma_semaphore, #tpu.memory_space<semaphore_mem>>)
    %dma_start3A_31 = arith.constant 0 : i32
    %dma_start3A_32 = arith.constant 0 : i32
    %dma_start3A_33 = arith.constant 0 : i32
    %dma_start3A_34 = arith.constant 0 : i32
    %dma_start3A_35 = tpu.memref_slice %arg2[%add3A_7, %dma_start3A_31, %dma_start3A_32, %dma_start3A_33, %dma_start3A_34] : memref<64x2x2x4x768xf32, #tpu.memory_space<hbm>> -> memref<1x2x2x4x128xf32, #tpu.memory_space<hbm>>
    %dma_start3A_36 = tpu.memref_squeeze %dma_start3A_35 : memref<1x2x2x4x128xf32, #tpu.memory_space<hbm>> -> memref<2x2x4x128xf32, #tpu.memory_space<hbm>>
    %dma_start3A_37 = arith.constant 0 : i32
    %dma_start3A_38 = arith.constant 0 : i32
    %dma_start3A_39 = arith.constant 0 : i32
    %dma_start3A_40 = arith.constant 0 : i32
    %dma_start3A_41 = tpu.memref_slice %arg2[%add3A_7, %dma_start3A_37, %dma_start3A_38, %dma_start3A_39, %dma_start3A_40] : memref<64x2x2x4x768xf32, #tpu.memory_space<hbm>> -> memref<1x2x2x4x128xf32, #tpu.memory_space<hbm>>
    %dma_start3A_42 = tpu.memref_squeeze %dma_start3A_41 : memref<1x2x2x4x128xf32, #tpu.memory_space<hbm>> -> memref<2x2x4x128xf32, #tpu.memory_space<hbm>>
    tpu.enqueue_dma source(%dma_start3A_42 : memref<2x2x4x128xf32, #tpu.memory_space<hbm>>) target(%arg7 : memref<2x2x4x128xf32, #tpu.memory_space<vmem>>) target_semaphore(%arg14 : memref<!tpu.dma_semaphore, #tpu.memory_space<semaphore_mem>>)
    %dma_start3A_43 = arith.constant 0 : i32
    %dma_start3A_44 = arith.constant 0 : i32
    %dma_start3A_45 = arith.constant 0 : i32
    %dma_start3A_46 = arith.constant 0 : i32
    %dma_start3A_47 = tpu.memref_slice %arg3[%add3A_7, %dma_start3A_43, %dma_start3A_44, %dma_start3A_45, %dma_start3A_46] : memref<64x2x2x4x768xi32, #tpu.memory_space<hbm>> -> memref<1x2x2x4x128xi32, #tpu.memory_space<hbm>>
    %dma_start3A_48 = tpu.memref_squeeze %dma_start3A_47 : memref<1x2x2x4x128xi32, #tpu.memory_space<hbm>> -> memref<2x2x4x128xi32, #tpu.memory_space<hbm>>
    %dma_start3A_49 = arith.constant 0 : i32
    %dma_start3A_50 = arith.constant 0 : i32
    %dma_start3A_51 = arith.constant 0 : i32
    %dma_start3A_52 = arith.constant 0 : i32
    %dma_start3A_53 = tpu.memref_slice %arg3[%add3A_7, %dma_start3A_49, %dma_start3A_50, %dma_start3A_51, %dma_start3A_52] : memref<64x2x2x4x768xi32, #tpu.memory_space<hbm>> -> memref<1x2x2x4x128xi32, #tpu.memory_space<hbm>>
    %dma_start3A_54 = tpu.memref_squeeze %dma_start3A_53 : memref<1x2x2x4x128xi32, #tpu.memory_space<hbm>> -> memref<2x2x4x128xi32, #tpu.memory_space<hbm>>
    tpu.enqueue_dma source(%dma_start3A_54 : memref<2x2x4x128xi32, #tpu.memory_space<hbm>>) target(%arg9 : memref<2x2x4x128xi32, #tpu.memory_space<vmem>>) target_semaphore(%arg16 : memref<!tpu.dma_semaphore, #tpu.memory_space<semaphore_mem>>)
    %scan3A = arith.constant 0 : i32
    %scan3A_55 = arith.constant 6 : i32
    %scan3A_56 = arith.addi %scan3A, %scan3A_55 : i32
    %scan3A_57 = arith.constant 1 : i32
    scf.for %scan3A_78 = %scan3A to %scan3A_56 step %scan3A_57  : i32 {
      %mul3A_79 = arith.constant 1 : i32
      %mul3A_80 = arith.muli %scan3A_78, %mul3A_79 : i32
      %add3A_81 = arith.constant 0 : i32
      %add3A_82 = arith.addi %add3A_81, %mul3A_80 : i32
      %mul3A_83 = arith.constant 128 : i32
      %mul3A_84 = arith.muli %add3A_82, %mul3A_83 : i32
      %gt3A = arith.constant 0 : i32
      %gt3A_85 = arith.cmpi sgt, %add3A_82, %gt3A : i32
      %convert_element_type3A = arith.extui %gt3A_85 : i1 to i32
      %cond3A = arith.constant 0 : i32
      %cond3A_86 = arith.cmpi ne, %convert_element_type3A, %cond3A : i32
      scf.if %cond3A_86 {
        %dma_wait3A_168 = arith.constant 0 : i32
        %dma_wait3A_169 = arith.constant 0 : i32
        %dma_wait3A_170 = tpu.memref_slice %arg5[%mul3A_3, %dma_wait3A_168, %dma_wait3A_169, %mul3A_84] : memref<64x30x4x768xf32, #tpu.memory_space<hbm>> -> memref<1x30x4x128xf32, #tpu.memory_space<hbm>>
        %dma_wait3A_171 = tpu.memref_squeeze %dma_wait3A_170 : memref<1x30x4x128xf32, #tpu.memory_space<hbm>> -> memref<30x4x128xf32, #tpu.memory_space<hbm>>
        %dma_wait3A_172 = arith.constant 0 : i32
        %dma_wait3A_173 = arith.constant 0 : i32
        %dma_wait3A_174 = tpu.memref_slice %arg5[%mul3A_3, %dma_wait3A_172, %dma_wait3A_173, %mul3A_84] : memref<64x30x4x768xf32, #tpu.memory_space<hbm>> -> memref<1x30x4x128xf32, #tpu.memory_space<hbm>>
        %dma_wait3A_175 = tpu.memref_squeeze %dma_wait3A_174 : memref<1x30x4x128xf32, #tpu.memory_space<hbm>> -> memref<30x4x128xf32, #tpu.memory_space<hbm>>
        tpu.wait_dma2 semaphore(%arg17 : memref<!tpu.dma_semaphore, #tpu.memory_space<semaphore_mem>>) src(%arg10 : memref<30x4x128xf32, #tpu.memory_space<vmem>>) dst(%dma_wait3A_175 : memref<30x4x128xf32, #tpu.memory_space<hbm>>)
      } else {
      }
      %parallel_loop3A = arith.constant 0 : i32
      %parallel_loop3A_87 = arith.constant 30 : i32
      %parallel_loop3A_88 = arith.constant 1 : i32
      scf.for %parallel_loop3A_168 = %parallel_loop3A to %parallel_loop3A_87 step %parallel_loop3A_88  : i32 {
        %parallel_loop3A_169 = arith.constant 0 : i32
        %parallel_loop3A_170 = arith.index_cast %parallel_loop3A_168 : i32 to index
        %parallel_loop3A_171 = arith.index_cast %parallel_loop3A_169 : i32 to index
        %parallel_loop3A_172 = arith.constant 0 : index
        %parallel_loop3A_173 = tpu.vector_load %arg10[%parallel_loop3A_170, %parallel_loop3A_171, %parallel_loop3A_172] {strides = array<i32>} : memref<30x4x128xf32, #tpu.memory_space<vmem>>, vector<16xf32>,
        tpu.vector_store %arg10[%parallel_loop3A_170, %parallel_loop3A_171, %parallel_loop3A_172], %broadcast_in_dim3A_1 {strides = array<i32>} : memref<30x4x128xf32, #tpu.memory_space<vmem>>, vector<16xf32>,
        %parallel_loop3A_174 = arith.constant 0 : i32
        %parallel_loop3A_175 = arith.index_cast %parallel_loop3A_168 : i32 to index
        %parallel_loop3A_176 = arith.index_cast %parallel_loop3A_174 : i32 to index
        %parallel_loop3A_177 = arith.constant 16 : index
        %parallel_loop3A_178 = tpu.vector_load %arg10[%parallel_loop3A_175, %parallel_loop3A_176, %parallel_loop3A_177] {strides = array<i32>} : memref<30x4x128xf32, #tpu.memory_space<vmem>>, vector<16xf32>,
        tpu.vector_store %arg10[%parallel_loop3A_175, %parallel_loop3A_176, %parallel_loop3A_177], %broadcast_in_dim3A_1 {strides = array<i32>} : memref<30x4x128xf32, #tpu.memory_space<vmem>>, vector<16xf32>,
        %parallel_loop3A_179 = arith.constant 0 : i32
        %parallel_loop3A_180 = arith.index_cast %parallel_loop3A_168 : i32 to index
        %parallel_loop3A_181 = arith.index_cast %parallel_loop3A_179 : i32 to index
        %parallel_loop3A_182 = arith.constant 32 : index
        %parallel_loop3A_183 = tpu.vector_load %arg10[%parallel_loop3A_180, %parallel_loop3A_181, %parallel_loop3A_182] {strides = array<i32>} : memref<30x4x128xf32, #tpu.memory_space<vmem>>, vector<16xf32>,
        tpu.vector_store %arg10[%parallel_loop3A_180, %parallel_loop3A_181, %parallel_loop3A_182], %broadcast_in_dim3A_1 {strides = array<i32>} : memref<30x4x128xf32, #tpu.memory_space<vmem>>, vector<16xf32>,
        %parallel_loop3A_184 = arith.constant 0 : i32
        %parallel_loop3A_185 = arith.index_cast %parallel_loop3A_168 : i32 to index
        %parallel_loop3A_186 = arith.index_cast %parallel_loop3A_184 : i32 to index
        %parallel_loop3A_187 = arith.constant 48 : index
        %parallel_loop3A_188 = tpu.vector_load %arg10[%parallel_loop3A_185, %parallel_loop3A_186, %parallel_loop3A_187] {strides = array<i32>} : memref<30x4x128xf32, #tpu.memory_space<vmem>>, vector<16xf32>,
        tpu.vector_store %arg10[%parallel_loop3A_185, %parallel_loop3A_186, %parallel_loop3A_187], %broadcast_in_dim3A_1 {strides = array<i32>} : memref<30x4x128xf32, #tpu.memory_space<vmem>>, vector<16xf32>,
        %parallel_loop3A_189 = arith.constant 0 : i32
        %parallel_loop3A_190 = arith.index_cast %parallel_loop3A_168 : i32 to index
        %parallel_loop3A_191 = arith.index_cast %parallel_loop3A_189 : i32 to index
        %parallel_loop3A_192 = arith.constant 64 : index
        %parallel_loop3A_193 = tpu.vector_load %arg10[%parallel_loop3A_190, %parallel_loop3A_191, %parallel_loop3A_192] {strides = array<i32>} : memref<30x4x128xf32, #tpu.memory_space<vmem>>, vector<16xf32>,
        tpu.vector_store %arg10[%parallel_loop3A_190, %parallel_loop3A_191, %parallel_loop3A_192], %broadcast_in_dim3A_1 {strides = array<i32>} : memref<30x4x128xf32, #tpu.memory_space<vmem>>, vector<16xf32>,
        %parallel_loop3A_194 = arith.constant 0 : i32
        %parallel_loop3A_195 = arith.index_cast %parallel_loop3A_168 : i32 to index
        %parallel_loop3A_196 = arith.index_cast %parallel_loop3A_194 : i32 to index
        %parallel_loop3A_197 = arith.constant 80 : index
        %parallel_loop3A_198 = tpu.vector_load %arg10[%parallel_loop3A_195, %parallel_loop3A_196, %parallel_loop3A_197] {strides = array<i32>} : memref<30x4x128xf32, #tpu.memory_space<vmem>>, vector<16xf32>,
        tpu.vector_store %arg10[%parallel_loop3A_195, %parallel_loop3A_196, %parallel_loop3A_197], %broadcast_in_dim3A_1 {strides = array<i32>} : memref<30x4x128xf32, #tpu.memory_space<vmem>>, vector<16xf32>,
        %parallel_loop3A_199 = arith.constant 0 : i32
        %parallel_loop3A_200 = arith.index_cast %parallel_loop3A_168 : i32 to index
        %parallel_loop3A_201 = arith.index_cast %parallel_loop3A_199 : i32 to index
        %parallel_loop3A_202 = arith.constant 96 : index
        %parallel_loop3A_203 = tpu.vector_load %arg10[%parallel_loop3A_200, %parallel_loop3A_201, %parallel_loop3A_202] {strides = array<i32>} : memref<30x4x128xf32, #tpu.memory_space<vmem>>, vector<16xf32>,
        tpu.vector_store %arg10[%parallel_loop3A_200, %parallel_loop3A_201, %parallel_loop3A_202], %broadcast_in_dim3A_1 {strides = array<i32>} : memref<30x4x128xf32, #tpu.memory_space<vmem>>, vector<16xf32>,
        %parallel_loop3A_204 = arith.constant 0 : i32
        %parallel_loop3A_205 = arith.index_cast %parallel_loop3A_168 : i32 to index
        %parallel_loop3A_206 = arith.index_cast %parallel_loop3A_204 : i32 to index
        %parallel_loop3A_207 = arith.constant 112 : index
        %parallel_loop3A_208 = tpu.vector_load %arg10[%parallel_loop3A_205, %parallel_loop3A_206, %parallel_loop3A_207] {strides = array<i32>} : memref<30x4x128xf32, #tpu.memory_space<vmem>>, vector<16xf32>,
        tpu.vector_store %arg10[%parallel_loop3A_205, %parallel_loop3A_206, %parallel_loop3A_207], %broadcast_in_dim3A_1 {strides = array<i32>} : memref<30x4x128xf32, #tpu.memory_space<vmem>>, vector<16xf32>,
        %parallel_loop3A_209 = arith.constant 1 : i32
        %parallel_loop3A_210 = arith.index_cast %parallel_loop3A_168 : i32 to index
        %parallel_loop3A_211 = arith.index_cast %parallel_loop3A_209 : i32 to index
        %parallel_loop3A_212 = arith.constant 0 : index
        %parallel_loop3A_213 = tpu.vector_load %arg10[%parallel_loop3A_210, %parallel_loop3A_211, %parallel_loop3A_212] {strides = array<i32>} : memref<30x4x128xf32, #tpu.memory_space<vmem>>, vector<16xf32>,
        tpu.vector_store %arg10[%parallel_loop3A_210, %parallel_loop3A_211, %parallel_loop3A_212], %broadcast_in_dim3A_1 {strides = array<i32>} : memref<30x4x128xf32, #tpu.memory_space<vmem>>, vector<16xf32>,
        %parallel_loop3A_214 = arith.constant 1 : i32
        %parallel_loop3A_215 = arith.index_cast %parallel_loop3A_168 : i32 to index
        %parallel_loop3A_216 = arith.index_cast %parallel_loop3A_214 : i32 to index
        %parallel_loop3A_217 = arith.constant 16 : index
        %parallel_loop3A_218 = tpu.vector_load %arg10[%parallel_loop3A_215, %parallel_loop3A_216, %parallel_loop3A_217] {strides = array<i32>} : memref<30x4x128xf32, #tpu.memory_space<vmem>>, vector<16xf32>,
        tpu.vector_store %arg10[%parallel_loop3A_215, %parallel_loop3A_216, %parallel_loop3A_217], %broadcast_in_dim3A_1 {strides = array<i32>} : memref<30x4x128xf32, #tpu.memory_space<vmem>>, vector<16xf32>,
        %parallel_loop3A_219 = arith.constant 1 : i32
        %parallel_loop3A_220 = arith.index_cast %parallel_loop3A_168 : i32 to index
        %parallel_loop3A_221 = arith.index_cast %parallel_loop3A_219 : i32 to index
        %parallel_loop3A_222 = arith.constant 32 : index
        %parallel_loop3A_223 = tpu.vector_load %arg10[%parallel_loop3A_220, %parallel_loop3A_221, %parallel_loop3A_222] {strides = array<i32>} : memref<30x4x128xf32, #tpu.memory_space<vmem>>, vector<16xf32>,
        tpu.vector_store %arg10[%parallel_loop3A_220, %parallel_loop3A_221, %parallel_loop3A_222], %broadcast_in_dim3A_1 {strides = array<i32>} : memref<30x4x128xf32, #tpu.memory_space<vmem>>, vector<16xf32>,
        %parallel_loop3A_224 = arith.constant 1 : i32
        %parallel_loop3A_225 = arith.index_cast %parallel_loop3A_168 : i32 to index
        %parallel_loop3A_226 = arith.index_cast %parallel_loop3A_224 : i32 to index
        %parallel_loop3A_227 = arith.constant 48 : index
        %parallel_loop3A_228 = tpu.vector_load %arg10[%parallel_loop3A_225, %parallel_loop3A_226, %parallel_loop3A_227] {strides = array<i32>} : memref<30x4x128xf32, #tpu.memory_space<vmem>>, vector<16xf32>,
        tpu.vector_store %arg10[%parallel_loop3A_225, %parallel_loop3A_226, %parallel_loop3A_227], %broadcast_in_dim3A_1 {strides = array<i32>} : memref<30x4x128xf32, #tpu.memory_space<vmem>>, vector<16xf32>,
        %parallel_loop3A_229 = arith.constant 1 : i32
        %parallel_loop3A_230 = arith.index_cast %parallel_loop3A_168 : i32 to index
        %parallel_loop3A_231 = arith.index_cast %parallel_loop3A_229 : i32 to index
        %parallel_loop3A_232 = arith.constant 64 : index
        %parallel_loop3A_233 = tpu.vector_load %arg10[%parallel_loop3A_230, %parallel_loop3A_231, %parallel_loop3A_232] {strides = array<i32>} : memref<30x4x128xf32, #tpu.memory_space<vmem>>, vector<16xf32>,
        tpu.vector_store %arg10[%parallel_loop3A_230, %parallel_loop3A_231, %parallel_loop3A_232], %broadcast_in_dim3A_1 {strides = array<i32>} : memref<30x4x128xf32, #tpu.memory_space<vmem>>, vector<16xf32>,
        %parallel_loop3A_234 = arith.constant 1 : i32
        %parallel_loop3A_235 = arith.index_cast %parallel_loop3A_168 : i32 to index
        %parallel_loop3A_236 = arith.index_cast %parallel_loop3A_234 : i32 to index
        %parallel_loop3A_237 = arith.constant 80 : index
        %parallel_loop3A_238 = tpu.vector_load %arg10[%parallel_loop3A_235, %parallel_loop3A_236, %parallel_loop3A_237] {strides = array<i32>} : memref<30x4x128xf32, #tpu.memory_space<vmem>>, vector<16xf32>,
        tpu.vector_store %arg10[%parallel_loop3A_235, %parallel_loop3A_236, %parallel_loop3A_237], %broadcast_in_dim3A_1 {strides = array<i32>} : memref<30x4x128xf32, #tpu.memory_space<vmem>>, vector<16xf32>,
        %parallel_loop3A_239 = arith.constant 1 : i32
        %parallel_loop3A_240 = arith.index_cast %parallel_loop3A_168 : i32 to index
        %parallel_loop3A_241 = arith.index_cast %parallel_loop3A_239 : i32 to index
        %parallel_loop3A_242 = arith.constant 96 : index
        %parallel_loop3A_243 = tpu.vector_load %arg10[%parallel_loop3A_240, %parallel_loop3A_241, %parallel_loop3A_242] {strides = array<i32>} : memref<30x4x128xf32, #tpu.memory_space<vmem>>, vector<16xf32>,
        tpu.vector_store %arg10[%parallel_loop3A_240, %parallel_loop3A_241, %parallel_loop3A_242], %broadcast_in_dim3A_1 {strides = array<i32>} : memref<30x4x128xf32, #tpu.memory_space<vmem>>, vector<16xf32>,
        %parallel_loop3A_244 = arith.constant 1 : i32
        %parallel_loop3A_245 = arith.index_cast %parallel_loop3A_168 : i32 to index
        %parallel_loop3A_246 = arith.index_cast %parallel_loop3A_244 : i32 to index
        %parallel_loop3A_247 = arith.constant 112 : index
        %parallel_loop3A_248 = tpu.vector_load %arg10[%parallel_loop3A_245, %parallel_loop3A_246, %parallel_loop3A_247] {strides = array<i32>} : memref<30x4x128xf32, #tpu.memory_space<vmem>>, vector<16xf32>,
        tpu.vector_store %arg10[%parallel_loop3A_245, %parallel_loop3A_246, %parallel_loop3A_247], %broadcast_in_dim3A_1 {strides = array<i32>} : memref<30x4x128xf32, #tpu.memory_space<vmem>>, vector<16xf32>,
        %parallel_loop3A_249 = arith.constant 2 : i32
        %parallel_loop3A_250 = arith.index_cast %parallel_loop3A_168 : i32 to index
        %parallel_loop3A_251 = arith.index_cast %parallel_loop3A_249 : i32 to index
        %parallel_loop3A_252 = arith.constant 0 : index
        %parallel_loop3A_253 = tpu.vector_load %arg10[%parallel_loop3A_250, %parallel_loop3A_251, %parallel_loop3A_252] {strides = array<i32>} : memref<30x4x128xf32, #tpu.memory_space<vmem>>, vector<16xf32>,
        tpu.vector_store %arg10[%parallel_loop3A_250, %parallel_loop3A_251, %parallel_loop3A_252], %broadcast_in_dim3A_1 {strides = array<i32>} : memref<30x4x128xf32, #tpu.memory_space<vmem>>, vector<16xf32>,
        %parallel_loop3A_254 = arith.constant 2 : i32
        %parallel_loop3A_255 = arith.index_cast %parallel_loop3A_168 : i32 to index
        %parallel_loop3A_256 = arith.index_cast %parallel_loop3A_254 : i32 to index
        %parallel_loop3A_257 = arith.constant 16 : index
        %parallel_loop3A_258 = tpu.vector_load %arg10[%parallel_loop3A_255, %parallel_loop3A_256, %parallel_loop3A_257] {strides = array<i32>} : memref<30x4x128xf32, #tpu.memory_space<vmem>>, vector<16xf32>,
        tpu.vector_store %arg10[%parallel_loop3A_255, %parallel_loop3A_256, %parallel_loop3A_257], %broadcast_in_dim3A_1 {strides = array<i32>} : memref<30x4x128xf32, #tpu.memory_space<vmem>>, vector<16xf32>,
        %parallel_loop3A_259 = arith.constant 2 : i32
        %parallel_loop3A_260 = arith.index_cast %parallel_loop3A_168 : i32 to index
        %parallel_loop3A_261 = arith.index_cast %parallel_loop3A_259 : i32 to index
        %parallel_loop3A_262 = arith.constant 32 : index
        %parallel_loop3A_263 = tpu.vector_load %arg10[%parallel_loop3A_260, %parallel_loop3A_261, %parallel_loop3A_262] {strides = array<i32>} : memref<30x4x128xf32, #tpu.memory_space<vmem>>, vector<16xf32>,
        tpu.vector_store %arg10[%parallel_loop3A_260, %parallel_loop3A_261, %parallel_loop3A_262], %broadcast_in_dim3A_1 {strides = array<i32>} : memref<30x4x128xf32, #tpu.memory_space<vmem>>, vector<16xf32>,
        %parallel_loop3A_264 = arith.constant 2 : i32
        %parallel_loop3A_265 = arith.index_cast %parallel_loop3A_168 : i32 to index
        %parallel_loop3A_266 = arith.index_cast %parallel_loop3A_264 : i32 to index
        %parallel_loop3A_267 = arith.constant 48 : index
        %parallel_loop3A_268 = tpu.vector_load %arg10[%parallel_loop3A_265, %parallel_loop3A_266, %parallel_loop3A_267] {strides = array<i32>} : memref<30x4x128xf32, #tpu.memory_space<vmem>>, vector<16xf32>,
        tpu.vector_store %arg10[%parallel_loop3A_265, %parallel_loop3A_266, %parallel_loop3A_267], %broadcast_in_dim3A_1 {strides = array<i32>} : memref<30x4x128xf32, #tpu.memory_space<vmem>>, vector<16xf32>,
        %parallel_loop3A_269 = arith.constant 2 : i32
        %parallel_loop3A_270 = arith.index_cast %parallel_loop3A_168 : i32 to index
        %parallel_loop3A_271 = arith.index_cast %parallel_loop3A_269 : i32 to index
        %parallel_loop3A_272 = arith.constant 64 : index
        %parallel_loop3A_273 = tpu.vector_load %arg10[%parallel_loop3A_270, %parallel_loop3A_271, %parallel_loop3A_272] {strides = array<i32>} : memref<30x4x128xf32, #tpu.memory_space<vmem>>, vector<16xf32>,
        tpu.vector_store %arg10[%parallel_loop3A_270, %parallel_loop3A_271, %parallel_loop3A_272], %broadcast_in_dim3A_1 {strides = array<i32>} : memref<30x4x128xf32, #tpu.memory_space<vmem>>, vector<16xf32>,
        %parallel_loop3A_274 = arith.constant 2 : i32
        %parallel_loop3A_275 = arith.index_cast %parallel_loop3A_168 : i32 to index
        %parallel_loop3A_276 = arith.index_cast %parallel_loop3A_274 : i32 to index
        %parallel_loop3A_277 = arith.constant 80 : index
        %parallel_loop3A_278 = tpu.vector_load %arg10[%parallel_loop3A_275, %parallel_loop3A_276, %parallel_loop3A_277] {strides = array<i32>} : memref<30x4x128xf32, #tpu.memory_space<vmem>>, vector<16xf32>,
        tpu.vector_store %arg10[%parallel_loop3A_275, %parallel_loop3A_276, %parallel_loop3A_277], %broadcast_in_dim3A_1 {strides = array<i32>} : memref<30x4x128xf32, #tpu.memory_space<vmem>>, vector<16xf32>,
        %parallel_loop3A_279 = arith.constant 2 : i32
        %parallel_loop3A_280 = arith.index_cast %parallel_loop3A_168 : i32 to index
        %parallel_loop3A_281 = arith.index_cast %parallel_loop3A_279 : i32 to index
        %parallel_loop3A_282 = arith.constant 96 : index
        %parallel_loop3A_283 = tpu.vector_load %arg10[%parallel_loop3A_280, %parallel_loop3A_281, %parallel_loop3A_282] {strides = array<i32>} : memref<30x4x128xf32, #tpu.memory_space<vmem>>, vector<16xf32>,
        tpu.vector_store %arg10[%parallel_loop3A_280, %parallel_loop3A_281, %parallel_loop3A_282], %broadcast_in_dim3A_1 {strides = array<i32>} : memref<30x4x128xf32, #tpu.memory_space<vmem>>, vector<16xf32>,
        %parallel_loop3A_284 = arith.constant 2 : i32
        %parallel_loop3A_285 = arith.index_cast %parallel_loop3A_168 : i32 to index
        %parallel_loop3A_286 = arith.index_cast %parallel_loop3A_284 : i32 to index
        %parallel_loop3A_287 = arith.constant 112 : index
        %parallel_loop3A_288 = tpu.vector_load %arg10[%parallel_loop3A_285, %parallel_loop3A_286, %parallel_loop3A_287] {strides = array<i32>} : memref<30x4x128xf32, #tpu.memory_space<vmem>>, vector<16xf32>,
        tpu.vector_store %arg10[%parallel_loop3A_285, %parallel_loop3A_286, %parallel_loop3A_287], %broadcast_in_dim3A_1 {strides = array<i32>} : memref<30x4x128xf32, #tpu.memory_space<vmem>>, vector<16xf32>,
        %parallel_loop3A_289 = arith.constant 3 : i32
        %parallel_loop3A_290 = arith.index_cast %parallel_loop3A_168 : i32 to index
        %parallel_loop3A_291 = arith.index_cast %parallel_loop3A_289 : i32 to index
        %parallel_loop3A_292 = arith.constant 0 : index
        %parallel_loop3A_293 = tpu.vector_load %arg10[%parallel_loop3A_290, %parallel_loop3A_291, %parallel_loop3A_292] {strides = array<i32>} : memref<30x4x128xf32, #tpu.memory_space<vmem>>, vector<16xf32>,
        tpu.vector_store %arg10[%parallel_loop3A_290, %parallel_loop3A_291, %parallel_loop3A_292], %broadcast_in_dim3A_1 {strides = array<i32>} : memref<30x4x128xf32, #tpu.memory_space<vmem>>, vector<16xf32>,
        %parallel_loop3A_294 = arith.constant 3 : i32
        %parallel_loop3A_295 = arith.index_cast %parallel_loop3A_168 : i32 to index
        %parallel_loop3A_296 = arith.index_cast %parallel_loop3A_294 : i32 to index
        %parallel_loop3A_297 = arith.constant 16 : index
        %parallel_loop3A_298 = tpu.vector_load %arg10[%parallel_loop3A_295, %parallel_loop3A_296, %parallel_loop3A_297] {strides = array<i32>} : memref<30x4x128xf32, #tpu.memory_space<vmem>>, vector<16xf32>,
        tpu.vector_store %arg10[%parallel_loop3A_295, %parallel_loop3A_296, %parallel_loop3A_297], %broadcast_in_dim3A_1 {strides = array<i32>} : memref<30x4x128xf32, #tpu.memory_space<vmem>>, vector<16xf32>,
        %parallel_loop3A_299 = arith.constant 3 : i32
        %parallel_loop3A_300 = arith.index_cast %parallel_loop3A_168 : i32 to index
        %parallel_loop3A_301 = arith.index_cast %parallel_loop3A_299 : i32 to index
        %parallel_loop3A_302 = arith.constant 32 : index
        %parallel_loop3A_303 = tpu.vector_load %arg10[%parallel_loop3A_300, %parallel_loop3A_301, %parallel_loop3A_302] {strides = array<i32>} : memref<30x4x128xf32, #tpu.memory_space<vmem>>, vector<16xf32>,
        tpu.vector_store %arg10[%parallel_loop3A_300, %parallel_loop3A_301, %parallel_loop3A_302], %broadcast_in_dim3A_1 {strides = array<i32>} : memref<30x4x128xf32, #tpu.memory_space<vmem>>, vector<16xf32>,
        %parallel_loop3A_304 = arith.constant 3 : i32
        %parallel_loop3A_305 = arith.index_cast %parallel_loop3A_168 : i32 to index
        %parallel_loop3A_306 = arith.index_cast %parallel_loop3A_304 : i32 to index
        %parallel_loop3A_307 = arith.constant 48 : index
        %parallel_loop3A_308 = tpu.vector_load %arg10[%parallel_loop3A_305, %parallel_loop3A_306, %parallel_loop3A_307] {strides = array<i32>} : memref<30x4x128xf32, #tpu.memory_space<vmem>>, vector<16xf32>,
        tpu.vector_store %arg10[%parallel_loop3A_305, %parallel_loop3A_306, %parallel_loop3A_307], %broadcast_in_dim3A_1 {strides = array<i32>} : memref<30x4x128xf32, #tpu.memory_space<vmem>>, vector<16xf32>,
        %parallel_loop3A_309 = arith.constant 3 : i32
        %parallel_loop3A_310 = arith.index_cast %parallel_loop3A_168 : i32 to index
        %parallel_loop3A_311 = arith.index_cast %parallel_loop3A_309 : i32 to index
        %parallel_loop3A_312 = arith.constant 64 : index
        %parallel_loop3A_313 = tpu.vector_load %arg10[%parallel_loop3A_310, %parallel_loop3A_311, %parallel_loop3A_312] {strides = array<i32>} : memref<30x4x128xf32, #tpu.memory_space<vmem>>, vector<16xf32>,
        tpu.vector_store %arg10[%parallel_loop3A_310, %parallel_loop3A_311, %parallel_loop3A_312], %broadcast_in_dim3A_1 {strides = array<i32>} : memref<30x4x128xf32, #tpu.memory_space<vmem>>, vector<16xf32>,
        %parallel_loop3A_314 = arith.constant 3 : i32
        %parallel_loop3A_315 = arith.index_cast %parallel_loop3A_168 : i32 to index
        %parallel_loop3A_316 = arith.index_cast %parallel_loop3A_314 : i32 to index
        %parallel_loop3A_317 = arith.constant 80 : index
        %parallel_loop3A_318 = tpu.vector_load %arg10[%parallel_loop3A_315, %parallel_loop3A_316, %parallel_loop3A_317] {strides = array<i32>} : memref<30x4x128xf32, #tpu.memory_space<vmem>>, vector<16xf32>,
        tpu.vector_store %arg10[%parallel_loop3A_315, %parallel_loop3A_316, %parallel_loop3A_317], %broadcast_in_dim3A_1 {strides = array<i32>} : memref<30x4x128xf32, #tpu.memory_space<vmem>>, vector<16xf32>,
        %parallel_loop3A_319 = arith.constant 3 : i32
        %parallel_loop3A_320 = arith.index_cast %parallel_loop3A_168 : i32 to index
        %parallel_loop3A_321 = arith.index_cast %parallel_loop3A_319 : i32 to index
        %parallel_loop3A_322 = arith.constant 96 : index
        %parallel_loop3A_323 = tpu.vector_load %arg10[%parallel_loop3A_320, %parallel_loop3A_321, %parallel_loop3A_322] {strides = array<i32>} : memref<30x4x128xf32, #tpu.memory_space<vmem>>, vector<16xf32>,
        tpu.vector_store %arg10[%parallel_loop3A_320, %parallel_loop3A_321, %parallel_loop3A_322], %broadcast_in_dim3A_1 {strides = array<i32>} : memref<30x4x128xf32, #tpu.memory_space<vmem>>, vector<16xf32>,
        %parallel_loop3A_324 = arith.constant 3 : i32
        %parallel_loop3A_325 = arith.index_cast %parallel_loop3A_168 : i32 to index
        %parallel_loop3A_326 = arith.index_cast %parallel_loop3A_324 : i32 to index
        %parallel_loop3A_327 = arith.constant 112 : index
        %parallel_loop3A_328 = tpu.vector_load %arg10[%parallel_loop3A_325, %parallel_loop3A_326, %parallel_loop3A_327] {strides = array<i32>} : memref<30x4x128xf32, #tpu.memory_space<vmem>>, vector<16xf32>,
        tpu.vector_store %arg10[%parallel_loop3A_325, %parallel_loop3A_326, %parallel_loop3A_327], %broadcast_in_dim3A_1 {strides = array<i32>} : memref<30x4x128xf32, #tpu.memory_space<vmem>>, vector<16xf32>,
      } {sc.loop_unroll_factor = 2 : i64, sc.parallel_access}
      %dma_wait3A_89 = arith.constant 0 : i32
      %dma_wait3A_90 = arith.constant 0 : i32
      %dma_wait3A_91 = arith.constant 0 : i32
      %dma_wait3A_92 = tpu.memref_slice %arg2[%mul3A_3, %dma_wait3A_89, %dma_wait3A_90, %dma_wait3A_91, %mul3A_84] : memref<64x2x2x4x768xf32, #tpu.memory_space<hbm>> -> memref<1x2x2x4x128xf32, #tpu.memory_space<hbm>>
      %dma_wait3A_93 = tpu.memref_squeeze %dma_wait3A_92 : memref<1x2x2x4x128xf32, #tpu.memory_space<hbm>> -> memref<2x2x4x128xf32, #tpu.memory_space<hbm>>
      %dma_wait3A_94 = arith.constant 0 : i32
      %dma_wait3A_95 = arith.constant 0 : i32
      %dma_wait3A_96 = arith.constant 0 : i32
      %dma_wait3A_97 = tpu.memref_slice %arg2[%mul3A_3, %dma_wait3A_94, %dma_wait3A_95, %dma_wait3A_96, %mul3A_84] : memref<64x2x2x4x768xf32, #tpu.memory_space<hbm>> -> memref<1x2x2x4x128xf32, #tpu.memory_space<hbm>>
      %dma_wait3A_98 = tpu.memref_squeeze %dma_wait3A_97 : memref<1x2x2x4x128xf32, #tpu.memory_space<hbm>> -> memref<2x2x4x128xf32, #tpu.memory_space<hbm>>
      tpu.wait_dma2 semaphore(%arg13 : memref<!tpu.dma_semaphore, #tpu.memory_space<semaphore_mem>>) src(%dma_wait3A_98 : memref<2x2x4x128xf32, #tpu.memory_space<hbm>>) dst(%arg6 : memref<2x2x4x128xf32, #tpu.memory_space<vmem>>)
      %dma_wait3A_99 = arith.constant 0 : i32
      %dma_wait3A_100 = arith.constant 0 : i32
      %dma_wait3A_101 = arith.constant 0 : i32
      %dma_wait3A_102 = tpu.memref_slice %arg3[%mul3A_3, %dma_wait3A_99, %dma_wait3A_100, %dma_wait3A_101, %mul3A_84] : memref<64x2x2x4x768xi32, #tpu.memory_space<hbm>> -> memref<1x2x2x4x128xi32, #tpu.memory_space<hbm>>
      %dma_wait3A_103 = tpu.memref_squeeze %dma_wait3A_102 : memref<1x2x2x4x128xi32, #tpu.memory_space<hbm>> -> memref<2x2x4x128xi32, #tpu.memory_space<hbm>>
      %dma_wait3A_104 = arith.constant 0 : i32
      %dma_wait3A_105 = arith.constant 0 : i32
      %dma_wait3A_106 = arith.constant 0 : i32
      %dma_wait3A_107 = tpu.memref_slice %arg3[%mul3A_3, %dma_wait3A_104, %dma_wait3A_105, %dma_wait3A_106, %mul3A_84] : memref<64x2x2x4x768xi32, #tpu.memory_space<hbm>> -> memref<1x2x2x4x128xi32, #tpu.memory_space<hbm>>
      %dma_wait3A_108 = tpu.memref_squeeze %dma_wait3A_107 : memref<1x2x2x4x128xi32, #tpu.memory_space<hbm>> -> memref<2x2x4x128xi32, #tpu.memory_space<hbm>>
      tpu.wait_dma2 semaphore(%arg15 : memref<!tpu.dma_semaphore, #tpu.memory_space<semaphore_mem>>) src(%dma_wait3A_108 : memref<2x2x4x128xi32, #tpu.memory_space<hbm>>) dst(%arg8 : memref<2x2x4x128xi32, #tpu.memory_space<vmem>>)
      %parallel_loop3A_109 = arith.constant 0 : i32
      %parallel_loop3A_110 = arith.constant 128 : i32
      %parallel_loop3A_111 = arith.constant 16 : i32
      scf.for %parallel_loop3A_168 = %parallel_loop3A_109 to %parallel_loop3A_110 step %parallel_loop3A_111  : i32 {
        %parallel_loop3A_169 = vector.broadcast %parallel_loop3A_168 : i32 to vector<16xi32>
        %parallel_loop3A_170 = arith.addi %iota3A, %parallel_loop3A_169 : vector<16xi32>
        %parallel_loop3A_171 = arith.constant 0 : i32
        %parallel_loop3A_172 = tpu.memref_reshape %arg6 : memref<2x2x4x128xf32, #tpu.memory_space<vmem>> -> memref<16x128xf32, #tpu.memory_space<vmem>>
        %parallel_loop3A_173 = arith.index_cast %parallel_loop3A_171 : i32 to index
        %parallel_loop3A_174 = arith.index_cast %parallel_loop3A_168 : i32 to index
        %parallel_loop3A_175 = tpu.vector_load %parallel_loop3A_172[%parallel_loop3A_173, %parallel_loop3A_174] {strides = array<i32>} : memref<16x128xf32, #tpu.memory_space<vmem>>, vector<16xf32>,
        %parallel_loop3A_176 = arith.constant 0 : i32
        %parallel_loop3A_177 = tpu.memref_reshape %arg8 : memref<2x2x4x128xi32, #tpu.memory_space<vmem>> -> memref<16x128xi32, #tpu.memory_space<vmem>>
        %parallel_loop3A_178 = arith.index_cast %parallel_loop3A_176 : i32 to index
        %parallel_loop3A_179 = arith.index_cast %parallel_loop3A_168 : i32 to index
        %parallel_loop3A_180 = tpu.vector_load %parallel_loop3A_177[%parallel_loop3A_178, %parallel_loop3A_179] {strides = array<i32>} : memref<16x128xi32, #tpu.memory_space<vmem>>, vector<16xi32>,
        %parallel_loop3A_181 = tpu.vector_load_idx %arg12[%parallel_loop3A_180] : memref<128xi32, #tpu.memory_space<vmem>>[vector<16xi32>], vector<16xi32>,
        %parallel_loop3A_182 = tpu.memref_reshape %arg10 : memref<30x4x128xf32, #tpu.memory_space<vmem>> -> memref<120x128xf32, #tpu.memory_space<vmem>>
        tpu.vector_store_idx %parallel_loop3A_182[%parallel_loop3A_181, %parallel_loop3A_170], %parallel_loop3A_175 : memref<120x128xf32, #tpu.memory_space<vmem>>[vector<16xi32>, vector<16xi32>], vector<16xf32>,
        %parallel_loop3A_183 = arith.constant 1 : i32
        %parallel_loop3A_184 = tpu.memref_reshape %arg6 : memref<2x2x4x128xf32, #tpu.memory_space<vmem>> -> memref<16x128xf32, #tpu.memory_space<vmem>>
        %parallel_loop3A_185 = arith.index_cast %parallel_loop3A_183 : i32 to index
        %parallel_loop3A_186 = arith.index_cast %parallel_loop3A_168 : i32 to index
        %parallel_loop3A_187 = tpu.vector_load %parallel_loop3A_184[%parallel_loop3A_185, %parallel_loop3A_186] {strides = array<i32>} : memref<16x128xf32, #tpu.memory_space<vmem>>, vector<16xf32>,
        %parallel_loop3A_188 = arith.constant 1 : i32
        %parallel_loop3A_189 = tpu.memref_reshape %arg8 : memref<2x2x4x128xi32, #tpu.memory_space<vmem>> -> memref<16x128xi32, #tpu.memory_space<vmem>>
        %parallel_loop3A_190 = arith.index_cast %parallel_loop3A_188 : i32 to index
        %parallel_loop3A_191 = arith.index_cast %parallel_loop3A_168 : i32 to index
        %parallel_loop3A_192 = tpu.vector_load %parallel_loop3A_189[%parallel_loop3A_190, %parallel_loop3A_191] {strides = array<i32>} : memref<16x128xi32, #tpu.memory_space<vmem>>, vector<16xi32>,
        %parallel_loop3A_193 = tpu.vector_load_idx %arg12[%parallel_loop3A_192] : memref<128xi32, #tpu.memory_space<vmem>>[vector<16xi32>], vector<16xi32>,
        %parallel_loop3A_194 = tpu.memref_reshape %arg10 : memref<30x4x128xf32, #tpu.memory_space<vmem>> -> memref<120x128xf32, #tpu.memory_space<vmem>>
        tpu.vector_store_idx %parallel_loop3A_194[%parallel_loop3A_193, %parallel_loop3A_170], %parallel_loop3A_187 : memref<120x128xf32, #tpu.memory_space<vmem>>[vector<16xi32>, vector<16xi32>], vector<16xf32>,
        %parallel_loop3A_195 = arith.constant 2 : i32
        %parallel_loop3A_196 = tpu.memref_reshape %arg6 : memref<2x2x4x128xf32, #tpu.memory_space<vmem>> -> memref<16x128xf32, #tpu.memory_space<vmem>>
        %parallel_loop3A_197 = arith.index_cast %parallel_loop3A_195 : i32 to index
        %parallel_loop3A_198 = arith.index_cast %parallel_loop3A_168 : i32 to index
        %parallel_loop3A_199 = tpu.vector_load %parallel_loop3A_196[%parallel_loop3A_197, %parallel_loop3A_198] {strides = array<i32>} : memref<16x128xf32, #tpu.memory_space<vmem>>, vector<16xf32>,
        %parallel_loop3A_200 = arith.constant 2 : i32
        %parallel_loop3A_201 = tpu.memref_reshape %arg8 : memref<2x2x4x128xi32, #tpu.memory_space<vmem>> -> memref<16x128xi32, #tpu.memory_space<vmem>>
        %parallel_loop3A_202 = arith.index_cast %parallel_loop3A_200 : i32 to index
        %parallel_loop3A_203 = arith.index_cast %parallel_loop3A_168 : i32 to index
        %parallel_loop3A_204 = tpu.vector_load %parallel_loop3A_201[%parallel_loop3A_202, %parallel_loop3A_203] {strides = array<i32>} : memref<16x128xi32, #tpu.memory_space<vmem>>, vector<16xi32>,
        %parallel_loop3A_205 = tpu.vector_load_idx %arg12[%parallel_loop3A_204] : memref<128xi32, #tpu.memory_space<vmem>>[vector<16xi32>], vector<16xi32>,
        %parallel_loop3A_206 = tpu.memref_reshape %arg10 : memref<30x4x128xf32, #tpu.memory_space<vmem>> -> memref<120x128xf32, #tpu.memory_space<vmem>>
        tpu.vector_store_idx %parallel_loop3A_206[%parallel_loop3A_205, %parallel_loop3A_170], %parallel_loop3A_199 : memref<120x128xf32, #tpu.memory_space<vmem>>[vector<16xi32>, vector<16xi32>], vector<16xf32>,
        %parallel_loop3A_207 = arith.constant 3 : i32
        %parallel_loop3A_208 = tpu.memref_reshape %arg6 : memref<2x2x4x128xf32, #tpu.memory_space<vmem>> -> memref<16x128xf32, #tpu.memory_space<vmem>>
        %parallel_loop3A_209 = arith.index_cast %parallel_loop3A_207 : i32 to index
        %parallel_loop3A_210 = arith.index_cast %parallel_loop3A_168 : i32 to index
        %parallel_loop3A_211 = tpu.vector_load %parallel_loop3A_208[%parallel_loop3A_209, %parallel_loop3A_210] {strides = array<i32>} : memref<16x128xf32, #tpu.memory_space<vmem>>, vector<16xf32>,
        %parallel_loop3A_212 = arith.constant 3 : i32
        %parallel_loop3A_213 = tpu.memref_reshape %arg8 : memref<2x2x4x128xi32, #tpu.memory_space<vmem>> -> memref<16x128xi32, #tpu.memory_space<vmem>>
        %parallel_loop3A_214 = arith.index_cast %parallel_loop3A_212 : i32 to index
        %parallel_loop3A_215 = arith.index_cast %parallel_loop3A_168 : i32 to index
        %parallel_loop3A_216 = tpu.vector_load %parallel_loop3A_213[%parallel_loop3A_214, %parallel_loop3A_215] {strides = array<i32>} : memref<16x128xi32, #tpu.memory_space<vmem>>, vector<16xi32>,
        %parallel_loop3A_217 = tpu.vector_load_idx %arg12[%parallel_loop3A_216] : memref<128xi32, #tpu.memory_space<vmem>>[vector<16xi32>], vector<16xi32>,
        %parallel_loop3A_218 = tpu.memref_reshape %arg10 : memref<30x4x128xf32, #tpu.memory_space<vmem>> -> memref<120x128xf32, #tpu.memory_space<vmem>>
        tpu.vector_store_idx %parallel_loop3A_218[%parallel_loop3A_217, %parallel_loop3A_170], %parallel_loop3A_211 : memref<120x128xf32, #tpu.memory_space<vmem>>[vector<16xi32>, vector<16xi32>], vector<16xf32>,
        %parallel_loop3A_219 = arith.constant 4 : i32
        %parallel_loop3A_220 = tpu.memref_reshape %arg6 : memref<2x2x4x128xf32, #tpu.memory_space<vmem>> -> memref<16x128xf32, #tpu.memory_space<vmem>>
        %parallel_loop3A_221 = arith.index_cast %parallel_loop3A_219 : i32 to index
        %parallel_loop3A_222 = arith.index_cast %parallel_loop3A_168 : i32 to index
        %parallel_loop3A_223 = tpu.vector_load %parallel_loop3A_220[%parallel_loop3A_221, %parallel_loop3A_222] {strides = array<i32>} : memref<16x128xf32, #tpu.memory_space<vmem>>, vector<16xf32>,
        %parallel_loop3A_224 = arith.constant 4 : i32
        %parallel_loop3A_225 = tpu.memref_reshape %arg8 : memref<2x2x4x128xi32, #tpu.memory_space<vmem>> -> memref<16x128xi32, #tpu.memory_space<vmem>>
        %parallel_loop3A_226 = arith.index_cast %parallel_loop3A_224 : i32 to index
        %parallel_loop3A_227 = arith.index_cast %parallel_loop3A_168 : i32 to index
        %parallel_loop3A_228 = tpu.vector_load %parallel_loop3A_225[%parallel_loop3A_226, %parallel_loop3A_227] {strides = array<i32>} : memref<16x128xi32, #tpu.memory_space<vmem>>, vector<16xi32>,
        %parallel_loop3A_229 = tpu.vector_load_idx %arg12[%parallel_loop3A_228] : memref<128xi32, #tpu.memory_space<vmem>>[vector<16xi32>], vector<16xi32>,
        %parallel_loop3A_230 = tpu.memref_reshape %arg10 : memref<30x4x128xf32, #tpu.memory_space<vmem>> -> memref<120x128xf32, #tpu.memory_space<vmem>>
        tpu.vector_store_idx %parallel_loop3A_230[%parallel_loop3A_229, %parallel_loop3A_170], %parallel_loop3A_223 : memref<120x128xf32, #tpu.memory_space<vmem>>[vector<16xi32>, vector<16xi32>], vector<16xf32>,
        %parallel_loop3A_231 = arith.constant 5 : i32
        %parallel_loop3A_232 = tpu.memref_reshape %arg6 : memref<2x2x4x128xf32, #tpu.memory_space<vmem>> -> memref<16x128xf32, #tpu.memory_space<vmem>>
        %parallel_loop3A_233 = arith.index_cast %parallel_loop3A_231 : i32 to index
        %parallel_loop3A_234 = arith.index_cast %parallel_loop3A_168 : i32 to index
        %parallel_loop3A_235 = tpu.vector_load %parallel_loop3A_232[%parallel_loop3A_233, %parallel_loop3A_234] {strides = array<i32>} : memref<16x128xf32, #tpu.memory_space<vmem>>, vector<16xf32>,
        %parallel_loop3A_236 = arith.constant 5 : i32
        %parallel_loop3A_237 = tpu.memref_reshape %arg8 : memref<2x2x4x128xi32, #tpu.memory_space<vmem>> -> memref<16x128xi32, #tpu.memory_space<vmem>>
        %parallel_loop3A_238 = arith.index_cast %parallel_loop3A_236 : i32 to index
        %parallel_loop3A_239 = arith.index_cast %parallel_loop3A_168 : i32 to index
        %parallel_loop3A_240 = tpu.vector_load %parallel_loop3A_237[%parallel_loop3A_238, %parallel_loop3A_239] {strides = array<i32>} : memref<16x128xi32, #tpu.memory_space<vmem>>, vector<16xi32>,
        %parallel_loop3A_241 = tpu.vector_load_idx %arg12[%parallel_loop3A_240] : memref<128xi32, #tpu.memory_space<vmem>>[vector<16xi32>], vector<16xi32>,
        %parallel_loop3A_242 = tpu.memref_reshape %arg10 : memref<30x4x128xf32, #tpu.memory_space<vmem>> -> memref<120x128xf32, #tpu.memory_space<vmem>>
        tpu.vector_store_idx %parallel_loop3A_242[%parallel_loop3A_241, %parallel_loop3A_170], %parallel_loop3A_235 : memref<120x128xf32, #tpu.memory_space<vmem>>[vector<16xi32>, vector<16xi32>], vector<16xf32>,
        %parallel_loop3A_243 = arith.constant 6 : i32
        %parallel_loop3A_244 = tpu.memref_reshape %arg6 : memref<2x2x4x128xf32, #tpu.memory_space<vmem>> -> memref<16x128xf32, #tpu.memory_space<vmem>>
        %parallel_loop3A_245 = arith.index_cast %parallel_loop3A_243 : i32 to index
        %parallel_loop3A_246 = arith.index_cast %parallel_loop3A_168 : i32 to index
        %parallel_loop3A_247 = tpu.vector_load %parallel_loop3A_244[%parallel_loop3A_245, %parallel_loop3A_246] {strides = array<i32>} : memref<16x128xf32, #tpu.memory_space<vmem>>, vector<16xf32>,
        %parallel_loop3A_248 = arith.constant 6 : i32
        %parallel_loop3A_249 = tpu.memref_reshape %arg8 : memref<2x2x4x128xi32, #tpu.memory_space<vmem>> -> memref<16x128xi32, #tpu.memory_space<vmem>>
        %parallel_loop3A_250 = arith.index_cast %parallel_loop3A_248 : i32 to index
        %parallel_loop3A_251 = arith.index_cast %parallel_loop3A_168 : i32 to index
        %parallel_loop3A_252 = tpu.vector_load %parallel_loop3A_249[%parallel_loop3A_250, %parallel_loop3A_251] {strides = array<i32>} : memref<16x128xi32, #tpu.memory_space<vmem>>, vector<16xi32>,
        %parallel_loop3A_253 = tpu.vector_load_idx %arg12[%parallel_loop3A_252] : memref<128xi32, #tpu.memory_space<vmem>>[vector<16xi32>], vector<16xi32>,
        %parallel_loop3A_254 = tpu.memref_reshape %arg10 : memref<30x4x128xf32, #tpu.memory_space<vmem>> -> memref<120x128xf32, #tpu.memory_space<vmem>>
        tpu.vector_store_idx %parallel_loop3A_254[%parallel_loop3A_253, %parallel_loop3A_170], %parallel_loop3A_247 : memref<120x128xf32, #tpu.memory_space<vmem>>[vector<16xi32>, vector<16xi32>], vector<16xf32>,
        %parallel_loop3A_255 = arith.constant 7 : i32
        %parallel_loop3A_256 = tpu.memref_reshape %arg6 : memref<2x2x4x128xf32, #tpu.memory_space<vmem>> -> memref<16x128xf32, #tpu.memory_space<vmem>>
        %parallel_loop3A_257 = arith.index_cast %parallel_loop3A_255 : i32 to index
        %parallel_loop3A_258 = arith.index_cast %parallel_loop3A_168 : i32 to index
        %parallel_loop3A_259 = tpu.vector_load %parallel_loop3A_256[%parallel_loop3A_257, %parallel_loop3A_258] {strides = array<i32>} : memref<16x128xf32, #tpu.memory_space<vmem>>, vector<16xf32>,
        %parallel_loop3A_260 = arith.constant 7 : i32
        %parallel_loop3A_261 = tpu.memref_reshape %arg8 : memref<2x2x4x128xi32, #tpu.memory_space<vmem>> -> memref<16x128xi32, #tpu.memory_space<vmem>>
        %parallel_loop3A_262 = arith.index_cast %parallel_loop3A_260 : i32 to index
        %parallel_loop3A_263 = arith.index_cast %parallel_loop3A_168 : i32 to index
        %parallel_loop3A_264 = tpu.vector_load %parallel_loop3A_261[%parallel_loop3A_262, %parallel_loop3A_263] {strides = array<i32>} : memref<16x128xi32, #tpu.memory_space<vmem>>, vector<16xi32>,
        %parallel_loop3A_265 = tpu.vector_load_idx %arg12[%parallel_loop3A_264] : memref<128xi32, #tpu.memory_space<vmem>>[vector<16xi32>], vector<16xi32>,
        %parallel_loop3A_266 = tpu.memref_reshape %arg10 : memref<30x4x128xf32, #tpu.memory_space<vmem>> -> memref<120x128xf32, #tpu.memory_space<vmem>>
        tpu.vector_store_idx %parallel_loop3A_266[%parallel_loop3A_265, %parallel_loop3A_170], %parallel_loop3A_259 : memref<120x128xf32, #tpu.memory_space<vmem>>[vector<16xi32>, vector<16xi32>], vector<16xf32>,
        %parallel_loop3A_267 = arith.constant 8 : i32
        %parallel_loop3A_268 = tpu.memref_reshape %arg6 : memref<2x2x4x128xf32, #tpu.memory_space<vmem>> -> memref<16x128xf32, #tpu.memory_space<vmem>>
        %parallel_loop3A_269 = arith.index_cast %parallel_loop3A_267 : i32 to index
        %parallel_loop3A_270 = arith.index_cast %parallel_loop3A_168 : i32 to index
        %parallel_loop3A_271 = tpu.vector_load %parallel_loop3A_268[%parallel_loop3A_269, %parallel_loop3A_270] {strides = array<i32>} : memref<16x128xf32, #tpu.memory_space<vmem>>, vector<16xf32>,
        %parallel_loop3A_272 = arith.constant 8 : i32
        %parallel_loop3A_273 = tpu.memref_reshape %arg8 : memref<2x2x4x128xi32, #tpu.memory_space<vmem>> -> memref<16x128xi32, #tpu.memory_space<vmem>>
        %parallel_loop3A_274 = arith.index_cast %parallel_loop3A_272 : i32 to index
        %parallel_loop3A_275 = arith.index_cast %parallel_loop3A_168 : i32 to index
        %parallel_loop3A_276 = tpu.vector_load %parallel_loop3A_273[%parallel_loop3A_274, %parallel_loop3A_275] {strides = array<i32>} : memref<16x128xi32, #tpu.memory_space<vmem>>, vector<16xi32>,
        %parallel_loop3A_277 = tpu.vector_load_idx %arg12[%parallel_loop3A_276] : memref<128xi32, #tpu.memory_space<vmem>>[vector<16xi32>], vector<16xi32>,
        %parallel_loop3A_278 = tpu.memref_reshape %arg10 : memref<30x4x128xf32, #tpu.memory_space<vmem>> -> memref<120x128xf32, #tpu.memory_space<vmem>>
        tpu.vector_store_idx %parallel_loop3A_278[%parallel_loop3A_277, %parallel_loop3A_170], %parallel_loop3A_271 : memref<120x128xf32, #tpu.memory_space<vmem>>[vector<16xi32>, vector<16xi32>], vector<16xf32>,
        %parallel_loop3A_279 = arith.constant 9 : i32
        %parallel_loop3A_280 = tpu.memref_reshape %arg6 : memref<2x2x4x128xf32, #tpu.memory_space<vmem>> -> memref<16x128xf32, #tpu.memory_space<vmem>>
        %parallel_loop3A_281 = arith.index_cast %parallel_loop3A_279 : i32 to index
        %parallel_loop3A_282 = arith.index_cast %parallel_loop3A_168 : i32 to index
        %parallel_loop3A_283 = tpu.vector_load %parallel_loop3A_280[%parallel_loop3A_281, %parallel_loop3A_282] {strides = array<i32>} : memref<16x128xf32, #tpu.memory_space<vmem>>, vector<16xf32>,
        %parallel_loop3A_284 = arith.constant 9 : i32
        %parallel_loop3A_285 = tpu.memref_reshape %arg8 : memref<2x2x4x128xi32, #tpu.memory_space<vmem>> -> memref<16x128xi32, #tpu.memory_space<vmem>>
        %parallel_loop3A_286 = arith.index_cast %parallel_loop3A_284 : i32 to index
        %parallel_loop3A_287 = arith.index_cast %parallel_loop3A_168 : i32 to index
        %parallel_loop3A_288 = tpu.vector_load %parallel_loop3A_285[%parallel_loop3A_286, %parallel_loop3A_287] {strides = array<i32>} : memref<16x128xi32, #tpu.memory_space<vmem>>, vector<16xi32>,
        %parallel_loop3A_289 = tpu.vector_load_idx %arg12[%parallel_loop3A_288] : memref<128xi32, #tpu.memory_space<vmem>>[vector<16xi32>], vector<16xi32>,
        %parallel_loop3A_290 = tpu.memref_reshape %arg10 : memref<30x4x128xf32, #tpu.memory_space<vmem>> -> memref<120x128xf32, #tpu.memory_space<vmem>>
        tpu.vector_store_idx %parallel_loop3A_290[%parallel_loop3A_289, %parallel_loop3A_170], %parallel_loop3A_283 : memref<120x128xf32, #tpu.memory_space<vmem>>[vector<16xi32>, vector<16xi32>], vector<16xf32>,
        %parallel_loop3A_291 = arith.constant 10 : i32
        %parallel_loop3A_292 = tpu.memref_reshape %arg6 : memref<2x2x4x128xf32, #tpu.memory_space<vmem>> -> memref<16x128xf32, #tpu.memory_space<vmem>>
        %parallel_loop3A_293 = arith.index_cast %parallel_loop3A_291 : i32 to index
        %parallel_loop3A_294 = arith.index_cast %parallel_loop3A_168 : i32 to index
        %parallel_loop3A_295 = tpu.vector_load %parallel_loop3A_292[%parallel_loop3A_293, %parallel_loop3A_294] {strides = array<i32>} : memref<16x128xf32, #tpu.memory_space<vmem>>, vector<16xf32>,
        %parallel_loop3A_296 = arith.constant 10 : i32
        %parallel_loop3A_297 = tpu.memref_reshape %arg8 : memref<2x2x4x128xi32, #tpu.memory_space<vmem>> -> memref<16x128xi32, #tpu.memory_space<vmem>>
        %parallel_loop3A_298 = arith.index_cast %parallel_loop3A_296 : i32 to index
        %parallel_loop3A_299 = arith.index_cast %parallel_loop3A_168 : i32 to index
        %parallel_loop3A_300 = tpu.vector_load %parallel_loop3A_297[%parallel_loop3A_298, %parallel_loop3A_299] {strides = array<i32>} : memref<16x128xi32, #tpu.memory_space<vmem>>, vector<16xi32>,
        %parallel_loop3A_301 = tpu.vector_load_idx %arg12[%parallel_loop3A_300] : memref<128xi32, #tpu.memory_space<vmem>>[vector<16xi32>], vector<16xi32>,
        %parallel_loop3A_302 = tpu.memref_reshape %arg10 : memref<30x4x128xf32, #tpu.memory_space<vmem>> -> memref<120x128xf32, #tpu.memory_space<vmem>>
        tpu.vector_store_idx %parallel_loop3A_302[%parallel_loop3A_301, %parallel_loop3A_170], %parallel_loop3A_295 : memref<120x128xf32, #tpu.memory_space<vmem>>[vector<16xi32>, vector<16xi32>], vector<16xf32>,
        %parallel_loop3A_303 = arith.constant 11 : i32
        %parallel_loop3A_304 = tpu.memref_reshape %arg6 : memref<2x2x4x128xf32, #tpu.memory_space<vmem>> -> memref<16x128xf32, #tpu.memory_space<vmem>>
        %parallel_loop3A_305 = arith.index_cast %parallel_loop3A_303 : i32 to index
        %parallel_loop3A_306 = arith.index_cast %parallel_loop3A_168 : i32 to index
        %parallel_loop3A_307 = tpu.vector_load %parallel_loop3A_304[%parallel_loop3A_305, %parallel_loop3A_306] {strides = array<i32>} : memref<16x128xf32, #tpu.memory_space<vmem>>, vector<16xf32>,
        %parallel_loop3A_308 = arith.constant 11 : i32
        %parallel_loop3A_309 = tpu.memref_reshape %arg8 : memref<2x2x4x128xi32, #tpu.memory_space<vmem>> -> memref<16x128xi32, #tpu.memory_space<vmem>>
        %parallel_loop3A_310 = arith.index_cast %parallel_loop3A_308 : i32 to index
        %parallel_loop3A_311 = arith.index_cast %parallel_loop3A_168 : i32 to index
        %parallel_loop3A_312 = tpu.vector_load %parallel_loop3A_309[%parallel_loop3A_310, %parallel_loop3A_311] {strides = array<i32>} : memref<16x128xi32, #tpu.memory_space<vmem>>, vector<16xi32>,
        %parallel_loop3A_313 = tpu.vector_load_idx %arg12[%parallel_loop3A_312] : memref<128xi32, #tpu.memory_space<vmem>>[vector<16xi32>], vector<16xi32>,
        %parallel_loop3A_314 = tpu.memref_reshape %arg10 : memref<30x4x128xf32, #tpu.memory_space<vmem>> -> memref<120x128xf32, #tpu.memory_space<vmem>>
        tpu.vector_store_idx %parallel_loop3A_314[%parallel_loop3A_313, %parallel_loop3A_170], %parallel_loop3A_307 : memref<120x128xf32, #tpu.memory_space<vmem>>[vector<16xi32>, vector<16xi32>], vector<16xf32>,
        %parallel_loop3A_315 = arith.constant 12 : i32
        %parallel_loop3A_316 = tpu.memref_reshape %arg6 : memref<2x2x4x128xf32, #tpu.memory_space<vmem>> -> memref<16x128xf32, #tpu.memory_space<vmem>>
        %parallel_loop3A_317 = arith.index_cast %parallel_loop3A_315 : i32 to index
        %parallel_loop3A_318 = arith.index_cast %parallel_loop3A_168 : i32 to index
        %parallel_loop3A_319 = tpu.vector_load %parallel_loop3A_316[%parallel_loop3A_317, %parallel_loop3A_318] {strides = array<i32>} : memref<16x128xf32, #tpu.memory_space<vmem>>, vector<16xf32>,
        %parallel_loop3A_320 = arith.constant 12 : i32
        %parallel_loop3A_321 = tpu.memref_reshape %arg8 : memref<2x2x4x128xi32, #tpu.memory_space<vmem>> -> memref<16x128xi32, #tpu.memory_space<vmem>>
        %parallel_loop3A_322 = arith.index_cast %parallel_loop3A_320 : i32 to index
        %parallel_loop3A_323 = arith.index_cast %parallel_loop3A_168 : i32 to index
        %parallel_loop3A_324 = tpu.vector_load %parallel_loop3A_321[%parallel_loop3A_322, %parallel_loop3A_323] {strides = array<i32>} : memref<16x128xi32, #tpu.memory_space<vmem>>, vector<16xi32>,
        %parallel_loop3A_325 = tpu.vector_load_idx %arg12[%parallel_loop3A_324] : memref<128xi32, #tpu.memory_space<vmem>>[vector<16xi32>], vector<16xi32>,
        %parallel_loop3A_326 = tpu.memref_reshape %arg10 : memref<30x4x128xf32, #tpu.memory_space<vmem>> -> memref<120x128xf32, #tpu.memory_space<vmem>>
        tpu.vector_store_idx %parallel_loop3A_326[%parallel_loop3A_325, %parallel_loop3A_170], %parallel_loop3A_319 : memref<120x128xf32, #tpu.memory_space<vmem>>[vector<16xi32>, vector<16xi32>], vector<16xf32>,
        %parallel_loop3A_327 = arith.constant 13 : i32
        %parallel_loop3A_328 = tpu.memref_reshape %arg6 : memref<2x2x4x128xf32, #tpu.memory_space<vmem>> -> memref<16x128xf32, #tpu.memory_space<vmem>>
        %parallel_loop3A_329 = arith.index_cast %parallel_loop3A_327 : i32 to index
        %parallel_loop3A_330 = arith.index_cast %parallel_loop3A_168 : i32 to index
        %parallel_loop3A_331 = tpu.vector_load %parallel_loop3A_328[%parallel_loop3A_329, %parallel_loop3A_330] {strides = array<i32>} : memref<16x128xf32, #tpu.memory_space<vmem>>, vector<16xf32>,
        %parallel_loop3A_332 = arith.constant 13 : i32
        %parallel_loop3A_333 = tpu.memref_reshape %arg8 : memref<2x2x4x128xi32, #tpu.memory_space<vmem>> -> memref<16x128xi32, #tpu.memory_space<vmem>>
        %parallel_loop3A_334 = arith.index_cast %parallel_loop3A_332 : i32 to index
        %parallel_loop3A_335 = arith.index_cast %parallel_loop3A_168 : i32 to index
        %parallel_loop3A_336 = tpu.vector_load %parallel_loop3A_333[%parallel_loop3A_334, %parallel_loop3A_335] {strides = array<i32>} : memref<16x128xi32, #tpu.memory_space<vmem>>, vector<16xi32>,
        %parallel_loop3A_337 = tpu.vector_load_idx %arg12[%parallel_loop3A_336] : memref<128xi32, #tpu.memory_space<vmem>>[vector<16xi32>], vector<16xi32>,
        %parallel_loop3A_338 = tpu.memref_reshape %arg10 : memref<30x4x128xf32, #tpu.memory_space<vmem>> -> memref<120x128xf32, #tpu.memory_space<vmem>>
        tpu.vector_store_idx %parallel_loop3A_338[%parallel_loop3A_337, %parallel_loop3A_170], %parallel_loop3A_331 : memref<120x128xf32, #tpu.memory_space<vmem>>[vector<16xi32>, vector<16xi32>], vector<16xf32>,
        %parallel_loop3A_339 = arith.constant 14 : i32
        %parallel_loop3A_340 = tpu.memref_reshape %arg6 : memref<2x2x4x128xf32, #tpu.memory_space<vmem>> -> memref<16x128xf32, #tpu.memory_space<vmem>>
        %parallel_loop3A_341 = arith.index_cast %parallel_loop3A_339 : i32 to index
        %parallel_loop3A_342 = arith.index_cast %parallel_loop3A_168 : i32 to index
        %parallel_loop3A_343 = tpu.vector_load %parallel_loop3A_340[%parallel_loop3A_341, %parallel_loop3A_342] {strides = array<i32>} : memref<16x128xf32, #tpu.memory_space<vmem>>, vector<16xf32>,
        %parallel_loop3A_344 = arith.constant 14 : i32
        %parallel_loop3A_345 = tpu.memref_reshape %arg8 : memref<2x2x4x128xi32, #tpu.memory_space<vmem>> -> memref<16x128xi32, #tpu.memory_space<vmem>>
        %parallel_loop3A_346 = arith.index_cast %parallel_loop3A_344 : i32 to index
        %parallel_loop3A_347 = arith.index_cast %parallel_loop3A_168 : i32 to index
        %parallel_loop3A_348 = tpu.vector_load %parallel_loop3A_345[%parallel_loop3A_346, %parallel_loop3A_347] {strides = array<i32>} : memref<16x128xi32, #tpu.memory_space<vmem>>, vector<16xi32>,
        %parallel_loop3A_349 = tpu.vector_load_idx %arg12[%parallel_loop3A_348] : memref<128xi32, #tpu.memory_space<vmem>>[vector<16xi32>], vector<16xi32>,
        %parallel_loop3A_350 = tpu.memref_reshape %arg10 : memref<30x4x128xf32, #tpu.memory_space<vmem>> -> memref<120x128xf32, #tpu.memory_space<vmem>>
        tpu.vector_store_idx %parallel_loop3A_350[%parallel_loop3A_349, %parallel_loop3A_170], %parallel_loop3A_343 : memref<120x128xf32, #tpu.memory_space<vmem>>[vector<16xi32>, vector<16xi32>], vector<16xf32>,
        %parallel_loop3A_351 = arith.constant 15 : i32
        %parallel_loop3A_352 = tpu.memref_reshape %arg6 : memref<2x2x4x128xf32, #tpu.memory_space<vmem>> -> memref<16x128xf32, #tpu.memory_space<vmem>>
        %parallel_loop3A_353 = arith.index_cast %parallel_loop3A_351 : i32 to index
        %parallel_loop3A_354 = arith.index_cast %parallel_loop3A_168 : i32 to index
        %parallel_loop3A_355 = tpu.vector_load %parallel_loop3A_352[%parallel_loop3A_353, %parallel_loop3A_354] {strides = array<i32>} : memref<16x128xf32, #tpu.memory_space<vmem>>, vector<16xf32>,
        %parallel_loop3A_356 = arith.constant 15 : i32
        %parallel_loop3A_357 = tpu.memref_reshape %arg8 : memref<2x2x4x128xi32, #tpu.memory_space<vmem>> -> memref<16x128xi32, #tpu.memory_space<vmem>>
        %parallel_loop3A_358 = arith.index_cast %parallel_loop3A_356 : i32 to index
        %parallel_loop3A_359 = arith.index_cast %parallel_loop3A_168 : i32 to index
        %parallel_loop3A_360 = tpu.vector_load %parallel_loop3A_357[%parallel_loop3A_358, %parallel_loop3A_359] {strides = array<i32>} : memref<16x128xi32, #tpu.memory_space<vmem>>, vector<16xi32>,
        %parallel_loop3A_361 = tpu.vector_load_idx %arg12[%parallel_loop3A_360] : memref<128xi32, #tpu.memory_space<vmem>>[vector<16xi32>], vector<16xi32>,
        %parallel_loop3A_362 = tpu.memref_reshape %arg10 : memref<30x4x128xf32, #tpu.memory_space<vmem>> -> memref<120x128xf32, #tpu.memory_space<vmem>>
        tpu.vector_store_idx %parallel_loop3A_362[%parallel_loop3A_361, %parallel_loop3A_170], %parallel_loop3A_355 : memref<120x128xf32, #tpu.memory_space<vmem>>[vector<16xi32>, vector<16xi32>], vector<16xf32>,
      } {sc.loop_unroll_factor = 4 : i64, sc.parallel_access}
      %lt3A = arith.constant 5 : i32
      %lt3A_112 = arith.cmpi slt, %add3A_82, %lt3A : i32
      %convert_element_type3A_113 = arith.extui %lt3A_112 : i1 to i32
      %cond3A_114 = arith.constant 0 : i32
      %cond3A_115 = arith.cmpi ne, %convert_element_type3A_113, %cond3A_114 : i32
      scf.if %cond3A_115 {
        %add3A_168 = arith.constant 1 : i32
        %add3A_169 = arith.addi %add3A_82, %add3A_168 : i32
        %mul3A_170 = arith.constant 128 : i32
        %mul3A_171 = arith.muli %add3A_169, %mul3A_170 : i32
        %dma_start3A_172 = arith.constant 0 : i32
        %dma_start3A_173 = arith.constant 0 : i32
        %dma_start3A_174 = arith.constant 0 : i32
        %dma_start3A_175 = tpu.memref_slice %arg2[%mul3A_3, %dma_start3A_172, %dma_start3A_173, %dma_start3A_174, %mul3A_171] : memref<64x2x2x4x768xf32, #tpu.memory_space<hbm>> -> memref<1x2x2x4x128xf32, #tpu.memory_space<hbm>>
        %dma_start3A_176 = tpu.memref_squeeze %dma_start3A_175 : memref<1x2x2x4x128xf32, #tpu.memory_space<hbm>> -> memref<2x2x4x128xf32, #tpu.memory_space<hbm>>
        %dma_start3A_177 = arith.constant 0 : i32
        %dma_start3A_178 = arith.constant 0 : i32
        %dma_start3A_179 = arith.constant 0 : i32
        %dma_start3A_180 = tpu.memref_slice %arg2[%mul3A_3, %dma_start3A_177, %dma_start3A_178, %dma_start3A_179, %mul3A_171] : memref<64x2x2x4x768xf32, #tpu.memory_space<hbm>> -> memref<1x2x2x4x128xf32, #tpu.memory_space<hbm>>
        %dma_start3A_181 = tpu.memref_squeeze %dma_start3A_180 : memref<1x2x2x4x128xf32, #tpu.memory_space<hbm>> -> memref<2x2x4x128xf32, #tpu.memory_space<hbm>>
        tpu.enqueue_dma source(%dma_start3A_181 : memref<2x2x4x128xf32, #tpu.memory_space<hbm>>) target(%arg6 : memref<2x2x4x128xf32, #tpu.memory_space<vmem>>) target_semaphore(%arg13 : memref<!tpu.dma_semaphore, #tpu.memory_space<semaphore_mem>>)
        %dma_start3A_182 = arith.constant 0 : i32
        %dma_start3A_183 = arith.constant 0 : i32
        %dma_start3A_184 = arith.constant 0 : i32
        %dma_start3A_185 = tpu.memref_slice %arg3[%mul3A_3, %dma_start3A_182, %dma_start3A_183, %dma_start3A_184, %mul3A_171] : memref<64x2x2x4x768xi32, #tpu.memory_space<hbm>> -> memref<1x2x2x4x128xi32, #tpu.memory_space<hbm>>
        %dma_start3A_186 = tpu.memref_squeeze %dma_start3A_185 : memref<1x2x2x4x128xi32, #tpu.memory_space<hbm>> -> memref<2x2x4x128xi32, #tpu.memory_space<hbm>>
        %dma_start3A_187 = arith.constant 0 : i32
        %dma_start3A_188 = arith.constant 0 : i32
        %dma_start3A_189 = arith.constant 0 : i32
        %dma_start3A_190 = tpu.memref_slice %arg3[%mul3A_3, %dma_start3A_187, %dma_start3A_188, %dma_start3A_189, %mul3A_171] : memref<64x2x2x4x768xi32, #tpu.memory_space<hbm>> -> memref<1x2x2x4x128xi32, #tpu.memory_space<hbm>>
        %dma_start3A_191 = tpu.memref_squeeze %dma_start3A_190 : memref<1x2x2x4x128xi32, #tpu.memory_space<hbm>> -> memref<2x2x4x128xi32, #tpu.memory_space<hbm>>
        tpu.enqueue_dma source(%dma_start3A_191 : memref<2x2x4x128xi32, #tpu.memory_space<hbm>>) target(%arg8 : memref<2x2x4x128xi32, #tpu.memory_space<vmem>>) target_semaphore(%arg15 : memref<!tpu.dma_semaphore, #tpu.memory_space<semaphore_mem>>)
      } else {
      }
      %dma_start3A_116 = arith.constant 0 : i32
      %dma_start3A_117 = arith.constant 0 : i32
      %dma_start3A_118 = tpu.memref_slice %arg5[%mul3A_3, %dma_start3A_116, %dma_start3A_117, %mul3A_84] : memref<64x30x4x768xf32, #tpu.memory_space<hbm>> -> memref<1x30x4x128xf32, #tpu.memory_space<hbm>>
      %dma_start3A_119 = tpu.memref_squeeze %dma_start3A_118 : memref<1x30x4x128xf32, #tpu.memory_space<hbm>> -> memref<30x4x128xf32, #tpu.memory_space<hbm>>
      %dma_start3A_120 = arith.constant 0 : i32
      %dma_start3A_121 = arith.constant 0 : i32
      %dma_start3A_122 = tpu.memref_slice %arg5[%mul3A_3, %dma_start3A_120, %dma_start3A_121, %mul3A_84] : memref<64x30x4x768xf32, #tpu.memory_space<hbm>> -> memref<1x30x4x128xf32, #tpu.memory_space<hbm>>
      %dma_start3A_123 = tpu.memref_squeeze %dma_start3A_122 : memref<1x30x4x128xf32, #tpu.memory_space<hbm>> -> memref<30x4x128xf32, #tpu.memory_space<hbm>>
      tpu.enqueue_dma source(%arg10 : memref<30x4x128xf32, #tpu.memory_space<vmem>>) target(%dma_start3A_123 : memref<30x4x128xf32, #tpu.memory_space<hbm>>) target_semaphore(%arg17 : memref<!tpu.dma_semaphore, #tpu.memory_space<semaphore_mem>>)
      %gt3A_124 = arith.constant 0 : i32
      %gt3A_125 = arith.cmpi sgt, %add3A_82, %gt3A_124 : i32
      %convert_element_type3A_126 = arith.extui %gt3A_125 : i1 to i32
      %cond3A_127 = arith.constant 0 : i32
      %cond3A_128 = arith.cmpi ne, %convert_element_type3A_126, %cond3A_127 : i32
      scf.if %cond3A_128 {
        %dma_wait3A_168 = arith.constant 0 : i32
        %dma_wait3A_169 = arith.constant 0 : i32
        %dma_wait3A_170 = tpu.memref_slice %arg5[%add3A_7, %dma_wait3A_168, %dma_wait3A_169, %mul3A_84] : memref<64x30x4x768xf32, #tpu.memory_space<hbm>> -> memref<1x30x4x128xf32, #tpu.memory_space<hbm>>
        %dma_wait3A_171 = tpu.memref_squeeze %dma_wait3A_170 : memref<1x30x4x128xf32, #tpu.memory_space<hbm>> -> memref<30x4x128xf32, #tpu.memory_space<hbm>>
        %dma_wait3A_172 = arith.constant 0 : i32
        %dma_wait3A_173 = arith.constant 0 : i32
        %dma_wait3A_174 = tpu.memref_slice %arg5[%add3A_7, %dma_wait3A_172, %dma_wait3A_173, %mul3A_84] : memref<64x30x4x768xf32, #tpu.memory_space<hbm>> -> memref<1x30x4x128xf32, #tpu.memory_space<hbm>>
        %dma_wait3A_175 = tpu.memref_squeeze %dma_wait3A_174 : memref<1x30x4x128xf32, #tpu.memory_space<hbm>> -> memref<30x4x128xf32, #tpu.memory_space<hbm>>
        tpu.wait_dma2 semaphore(%arg18 : memref<!tpu.dma_semaphore, #tpu.memory_space<semaphore_mem>>) src(%arg11 : memref<30x4x128xf32, #tpu.memory_space<vmem>>) dst(%dma_wait3A_175 : memref<30x4x128xf32, #tpu.memory_space<hbm>>)
      } else {
      }
      %parallel_loop3A_129 = arith.constant 0 : i32
      %parallel_loop3A_130 = arith.constant 30 : i32
      %parallel_loop3A_131 = arith.constant 1 : i32
      scf.for %parallel_loop3A_168 = %parallel_loop3A_129 to %parallel_loop3A_130 step %parallel_loop3A_131  : i32 {
        %parallel_loop3A_169 = arith.constant 0 : i32
        %parallel_loop3A_170 = arith.index_cast %parallel_loop3A_168 : i32 to index
        %parallel_loop3A_171 = arith.index_cast %parallel_loop3A_169 : i32 to index
        %parallel_loop3A_172 = arith.constant 0 : index
        %parallel_loop3A_173 = tpu.vector_load %arg11[%parallel_loop3A_170, %parallel_loop3A_171, %parallel_loop3A_172] {strides = array<i32>} : memref<30x4x128xf32, #tpu.memory_space<vmem>>, vector<16xf32>,
        tpu.vector_store %arg11[%parallel_loop3A_170, %parallel_loop3A_171, %parallel_loop3A_172], %broadcast_in_dim3A_1 {strides = array<i32>} : memref<30x4x128xf32, #tpu.memory_space<vmem>>, vector<16xf32>,
        %parallel_loop3A_174 = arith.constant 0 : i32
        %parallel_loop3A_175 = arith.index_cast %parallel_loop3A_168 : i32 to index
        %parallel_loop3A_176 = arith.index_cast %parallel_loop3A_174 : i32 to index
        %parallel_loop3A_177 = arith.constant 16 : index
        %parallel_loop3A_178 = tpu.vector_load %arg11[%parallel_loop3A_175, %parallel_loop3A_176, %parallel_loop3A_177] {strides = array<i32>} : memref<30x4x128xf32, #tpu.memory_space<vmem>>, vector<16xf32>,
        tpu.vector_store %arg11[%parallel_loop3A_175, %parallel_loop3A_176, %parallel_loop3A_177], %broadcast_in_dim3A_1 {strides = array<i32>} : memref<30x4x128xf32, #tpu.memory_space<vmem>>, vector<16xf32>,
        %parallel_loop3A_179 = arith.constant 0 : i32
        %parallel_loop3A_180 = arith.index_cast %parallel_loop3A_168 : i32 to index
        %parallel_loop3A_181 = arith.index_cast %parallel_loop3A_179 : i32 to index
        %parallel_loop3A_182 = arith.constant 32 : index
        %parallel_loop3A_183 = tpu.vector_load %arg11[%parallel_loop3A_180, %parallel_loop3A_181, %parallel_loop3A_182] {strides = array<i32>} : memref<30x4x128xf32, #tpu.memory_space<vmem>>, vector<16xf32>,
        tpu.vector_store %arg11[%parallel_loop3A_180, %parallel_loop3A_181, %parallel_loop3A_182], %broadcast_in_dim3A_1 {strides = array<i32>} : memref<30x4x128xf32, #tpu.memory_space<vmem>>, vector<16xf32>,
        %parallel_loop3A_184 = arith.constant 0 : i32
        %parallel_loop3A_185 = arith.index_cast %parallel_loop3A_168 : i32 to index
        %parallel_loop3A_186 = arith.index_cast %parallel_loop3A_184 : i32 to index
        %parallel_loop3A_187 = arith.constant 48 : index
        %parallel_loop3A_188 = tpu.vector_load %arg11[%parallel_loop3A_185, %parallel_loop3A_186, %parallel_loop3A_187] {strides = array<i32>} : memref<30x4x128xf32, #tpu.memory_space<vmem>>, vector<16xf32>,
        tpu.vector_store %arg11[%parallel_loop3A_185, %parallel_loop3A_186, %parallel_loop3A_187], %broadcast_in_dim3A_1 {strides = array<i32>} : memref<30x4x128xf32, #tpu.memory_space<vmem>>, vector<16xf32>,
        %parallel_loop3A_189 = arith.constant 0 : i32
        %parallel_loop3A_190 = arith.index_cast %parallel_loop3A_168 : i32 to index
        %parallel_loop3A_191 = arith.index_cast %parallel_loop3A_189 : i32 to index
        %parallel_loop3A_192 = arith.constant 64 : index
        %parallel_loop3A_193 = tpu.vector_load %arg11[%parallel_loop3A_190, %parallel_loop3A_191, %parallel_loop3A_192] {strides = array<i32>} : memref<30x4x128xf32, #tpu.memory_space<vmem>>, vector<16xf32>,
        tpu.vector_store %arg11[%parallel_loop3A_190, %parallel_loop3A_191, %parallel_loop3A_192], %broadcast_in_dim3A_1 {strides = array<i32>} : memref<30x4x128xf32, #tpu.memory_space<vmem>>, vector<16xf32>,
        %parallel_loop3A_194 = arith.constant 0 : i32
        %parallel_loop3A_195 = arith.index_cast %parallel_loop3A_168 : i32 to index
        %parallel_loop3A_196 = arith.index_cast %parallel_loop3A_194 : i32 to index
        %parallel_loop3A_197 = arith.constant 80 : index
        %parallel_loop3A_198 = tpu.vector_load %arg11[%parallel_loop3A_195, %parallel_loop3A_196, %parallel_loop3A_197] {strides = array<i32>} : memref<30x4x128xf32, #tpu.memory_space<vmem>>, vector<16xf32>,
        tpu.vector_store %arg11[%parallel_loop3A_195, %parallel_loop3A_196, %parallel_loop3A_197], %broadcast_in_dim3A_1 {strides = array<i32>} : memref<30x4x128xf32, #tpu.memory_space<vmem>>, vector<16xf32>,
        %parallel_loop3A_199 = arith.constant 0 : i32
        %parallel_loop3A_200 = arith.index_cast %parallel_loop3A_168 : i32 to index
        %parallel_loop3A_201 = arith.index_cast %parallel_loop3A_199 : i32 to index
        %parallel_loop3A_202 = arith.constant 96 : index
        %parallel_loop3A_203 = tpu.vector_load %arg11[%parallel_loop3A_200, %parallel_loop3A_201, %parallel_loop3A_202] {strides = array<i32>} : memref<30x4x128xf32, #tpu.memory_space<vmem>>, vector<16xf32>,
        tpu.vector_store %arg11[%parallel_loop3A_200, %parallel_loop3A_201, %parallel_loop3A_202], %broadcast_in_dim3A_1 {strides = array<i32>} : memref<30x4x128xf32, #tpu.memory_space<vmem>>, vector<16xf32>,
        %parallel_loop3A_204 = arith.constant 0 : i32
        %parallel_loop3A_205 = arith.index_cast %parallel_loop3A_168 : i32 to index
        %parallel_loop3A_206 = arith.index_cast %parallel_loop3A_204 : i32 to index
        %parallel_loop3A_207 = arith.constant 112 : index
        %parallel_loop3A_208 = tpu.vector_load %arg11[%parallel_loop3A_205, %parallel_loop3A_206, %parallel_loop3A_207] {strides = array<i32>} : memref<30x4x128xf32, #tpu.memory_space<vmem>>, vector<16xf32>,
        tpu.vector_store %arg11[%parallel_loop3A_205, %parallel_loop3A_206, %parallel_loop3A_207], %broadcast_in_dim3A_1 {strides = array<i32>} : memref<30x4x128xf32, #tpu.memory_space<vmem>>, vector<16xf32>,
        %parallel_loop3A_209 = arith.constant 1 : i32
        %parallel_loop3A_210 = arith.index_cast %parallel_loop3A_168 : i32 to index
        %parallel_loop3A_211 = arith.index_cast %parallel_loop3A_209 : i32 to index
        %parallel_loop3A_212 = arith.constant 0 : index
        %parallel_loop3A_213 = tpu.vector_load %arg11[%parallel_loop3A_210, %parallel_loop3A_211, %parallel_loop3A_212] {strides = array<i32>} : memref<30x4x128xf32, #tpu.memory_space<vmem>>, vector<16xf32>,
        tpu.vector_store %arg11[%parallel_loop3A_210, %parallel_loop3A_211, %parallel_loop3A_212], %broadcast_in_dim3A_1 {strides = array<i32>} : memref<30x4x128xf32, #tpu.memory_space<vmem>>, vector<16xf32>,
        %parallel_loop3A_214 = arith.constant 1 : i32
        %parallel_loop3A_215 = arith.index_cast %parallel_loop3A_168 : i32 to index
        %parallel_loop3A_216 = arith.index_cast %parallel_loop3A_214 : i32 to index
        %parallel_loop3A_217 = arith.constant 16 : index
        %parallel_loop3A_218 = tpu.vector_load %arg11[%parallel_loop3A_215, %parallel_loop3A_216, %parallel_loop3A_217] {strides = array<i32>} : memref<30x4x128xf32, #tpu.memory_space<vmem>>, vector<16xf32>,
        tpu.vector_store %arg11[%parallel_loop3A_215, %parallel_loop3A_216, %parallel_loop3A_217], %broadcast_in_dim3A_1 {strides = array<i32>} : memref<30x4x128xf32, #tpu.memory_space<vmem>>, vector<16xf32>,
        %parallel_loop3A_219 = arith.constant 1 : i32
        %parallel_loop3A_220 = arith.index_cast %parallel_loop3A_168 : i32 to index
        %parallel_loop3A_221 = arith.index_cast %parallel_loop3A_219 : i32 to index
        %parallel_loop3A_222 = arith.constant 32 : index
        %parallel_loop3A_223 = tpu.vector_load %arg11[%parallel_loop3A_220, %parallel_loop3A_221, %parallel_loop3A_222] {strides = array<i32>} : memref<30x4x128xf32, #tpu.memory_space<vmem>>, vector<16xf32>,
        tpu.vector_store %arg11[%parallel_loop3A_220, %parallel_loop3A_221, %parallel_loop3A_222], %broadcast_in_dim3A_1 {strides = array<i32>} : memref<30x4x128xf32, #tpu.memory_space<vmem>>, vector<16xf32>,
        %parallel_loop3A_224 = arith.constant 1 : i32
        %parallel_loop3A_225 = arith.index_cast %parallel_loop3A_168 : i32 to index
        %parallel_loop3A_226 = arith.index_cast %parallel_loop3A_224 : i32 to index
        %parallel_loop3A_227 = arith.constant 48 : index
        %parallel_loop3A_228 = tpu.vector_load %arg11[%parallel_loop3A_225, %parallel_loop3A_226, %parallel_loop3A_227] {strides = array<i32>} : memref<30x4x128xf32, #tpu.memory_space<vmem>>, vector<16xf32>,
        tpu.vector_store %arg11[%parallel_loop3A_225, %parallel_loop3A_226, %parallel_loop3A_227], %broadcast_in_dim3A_1 {strides = array<i32>} : memref<30x4x128xf32, #tpu.memory_space<vmem>>, vector<16xf32>,
        %parallel_loop3A_229 = arith.constant 1 : i32
        %parallel_loop3A_230 = arith.index_cast %parallel_loop3A_168 : i32 to index
        %parallel_loop3A_231 = arith.index_cast %parallel_loop3A_229 : i32 to index
        %parallel_loop3A_232 = arith.constant 64 : index
        %parallel_loop3A_233 = tpu.vector_load %arg11[%parallel_loop3A_230, %parallel_loop3A_231, %parallel_loop3A_232] {strides = array<i32>} : memref<30x4x128xf32, #tpu.memory_space<vmem>>, vector<16xf32>,
        tpu.vector_store %arg11[%parallel_loop3A_230, %parallel_loop3A_231, %parallel_loop3A_232], %broadcast_in_dim3A_1 {strides = array<i32>} : memref<30x4x128xf32, #tpu.memory_space<vmem>>, vector<16xf32>,
        %parallel_loop3A_234 = arith.constant 1 : i32
        %parallel_loop3A_235 = arith.index_cast %parallel_loop3A_168 : i32 to index
        %parallel_loop3A_236 = arith.index_cast %parallel_loop3A_234 : i32 to index
        %parallel_loop3A_237 = arith.constant 80 : index
        %parallel_loop3A_238 = tpu.vector_load %arg11[%parallel_loop3A_235, %parallel_loop3A_236, %parallel_loop3A_237] {strides = array<i32>} : memref<30x4x128xf32, #tpu.memory_space<vmem>>, vector<16xf32>,
        tpu.vector_store %arg11[%parallel_loop3A_235, %parallel_loop3A_236, %parallel_loop3A_237], %broadcast_in_dim3A_1 {strides = array<i32>} : memref<30x4x128xf32, #tpu.memory_space<vmem>>, vector<16xf32>,
        %parallel_loop3A_239 = arith.constant 1 : i32
        %parallel_loop3A_240 = arith.index_cast %parallel_loop3A_168 : i32 to index
        %parallel_loop3A_241 = arith.index_cast %parallel_loop3A_239 : i32 to index
        %parallel_loop3A_242 = arith.constant 96 : index
        %parallel_loop3A_243 = tpu.vector_load %arg11[%parallel_loop3A_240, %parallel_loop3A_241, %parallel_loop3A_242] {strides = array<i32>} : memref<30x4x128xf32, #tpu.memory_space<vmem>>, vector<16xf32>,
        tpu.vector_store %arg11[%parallel_loop3A_240, %parallel_loop3A_241, %parallel_loop3A_242], %broadcast_in_dim3A_1 {strides = array<i32>} : memref<30x4x128xf32, #tpu.memory_space<vmem>>, vector<16xf32>,
        %parallel_loop3A_244 = arith.constant 1 : i32
        %parallel_loop3A_245 = arith.index_cast %parallel_loop3A_168 : i32 to index
        %parallel_loop3A_246 = arith.index_cast %parallel_loop3A_244 : i32 to index
        %parallel_loop3A_247 = arith.constant 112 : index
        %parallel_loop3A_248 = tpu.vector_load %arg11[%parallel_loop3A_245, %parallel_loop3A_246, %parallel_loop3A_247] {strides = array<i32>} : memref<30x4x128xf32, #tpu.memory_space<vmem>>, vector<16xf32>,
        tpu.vector_store %arg11[%parallel_loop3A_245, %parallel_loop3A_246, %parallel_loop3A_247], %broadcast_in_dim3A_1 {strides = array<i32>} : memref<30x4x128xf32, #tpu.memory_space<vmem>>, vector<16xf32>,
        %parallel_loop3A_249 = arith.constant 2 : i32
        %parallel_loop3A_250 = arith.index_cast %parallel_loop3A_168 : i32 to index
        %parallel_loop3A_251 = arith.index_cast %parallel_loop3A_249 : i32 to index
        %parallel_loop3A_252 = arith.constant 0 : index
        %parallel_loop3A_253 = tpu.vector_load %arg11[%parallel_loop3A_250, %parallel_loop3A_251, %parallel_loop3A_252] {strides = array<i32>} : memref<30x4x128xf32, #tpu.memory_space<vmem>>, vector<16xf32>,
        tpu.vector_store %arg11[%parallel_loop3A_250, %parallel_loop3A_251, %parallel_loop3A_252], %broadcast_in_dim3A_1 {strides = array<i32>} : memref<30x4x128xf32, #tpu.memory_space<vmem>>, vector<16xf32>,
        %parallel_loop3A_254 = arith.constant 2 : i32
        %parallel_loop3A_255 = arith.index_cast %parallel_loop3A_168 : i32 to index
        %parallel_loop3A_256 = arith.index_cast %parallel_loop3A_254 : i32 to index
        %parallel_loop3A_257 = arith.constant 16 : index
        %parallel_loop3A_258 = tpu.vector_load %arg11[%parallel_loop3A_255, %parallel_loop3A_256, %parallel_loop3A_257] {strides = array<i32>} : memref<30x4x128xf32, #tpu.memory_space<vmem>>, vector<16xf32>,
        tpu.vector_store %arg11[%parallel_loop3A_255, %parallel_loop3A_256, %parallel_loop3A_257], %broadcast_in_dim3A_1 {strides = array<i32>} : memref<30x4x128xf32, #tpu.memory_space<vmem>>, vector<16xf32>,
        %parallel_loop3A_259 = arith.constant 2 : i32
        %parallel_loop3A_260 = arith.index_cast %parallel_loop3A_168 : i32 to index
        %parallel_loop3A_261 = arith.index_cast %parallel_loop3A_259 : i32 to index
        %parallel_loop3A_262 = arith.constant 32 : index
        %parallel_loop3A_263 = tpu.vector_load %arg11[%parallel_loop3A_260, %parallel_loop3A_261, %parallel_loop3A_262] {strides = array<i32>} : memref<30x4x128xf32, #tpu.memory_space<vmem>>, vector<16xf32>,
        tpu.vector_store %arg11[%parallel_loop3A_260, %parallel_loop3A_261, %parallel_loop3A_262], %broadcast_in_dim3A_1 {strides = array<i32>} : memref<30x4x128xf32, #tpu.memory_space<vmem>>, vector<16xf32>,
        %parallel_loop3A_264 = arith.constant 2 : i32
        %parallel_loop3A_265 = arith.index_cast %parallel_loop3A_168 : i32 to index
        %parallel_loop3A_266 = arith.index_cast %parallel_loop3A_264 : i32 to index
        %parallel_loop3A_267 = arith.constant 48 : index
        %parallel_loop3A_268 = tpu.vector_load %arg11[%parallel_loop3A_265, %parallel_loop3A_266, %parallel_loop3A_267] {strides = array<i32>} : memref<30x4x128xf32, #tpu.memory_space<vmem>>, vector<16xf32>,
        tpu.vector_store %arg11[%parallel_loop3A_265, %parallel_loop3A_266, %parallel_loop3A_267], %broadcast_in_dim3A_1 {strides = array<i32>} : memref<30x4x128xf32, #tpu.memory_space<vmem>>, vector<16xf32>,
        %parallel_loop3A_269 = arith.constant 2 : i32
        %parallel_loop3A_270 = arith.index_cast %parallel_loop3A_168 : i32 to index
        %parallel_loop3A_271 = arith.index_cast %parallel_loop3A_269 : i32 to index
        %parallel_loop3A_272 = arith.constant 64 : index
        %parallel_loop3A_273 = tpu.vector_load %arg11[%parallel_loop3A_270, %parallel_loop3A_271, %parallel_loop3A_272] {strides = array<i32>} : memref<30x4x128xf32, #tpu.memory_space<vmem>>, vector<16xf32>,
        tpu.vector_store %arg11[%parallel_loop3A_270, %parallel_loop3A_271, %parallel_loop3A_272], %broadcast_in_dim3A_1 {strides = array<i32>} : memref<30x4x128xf32, #tpu.memory_space<vmem>>, vector<16xf32>,
        %parallel_loop3A_274 = arith.constant 2 : i32
        %parallel_loop3A_275 = arith.index_cast %parallel_loop3A_168 : i32 to index
        %parallel_loop3A_276 = arith.index_cast %parallel_loop3A_274 : i32 to index
        %parallel_loop3A_277 = arith.constant 80 : index
        %parallel_loop3A_278 = tpu.vector_load %arg11[%parallel_loop3A_275, %parallel_loop3A_276, %parallel_loop3A_277] {strides = array<i32>} : memref<30x4x128xf32, #tpu.memory_space<vmem>>, vector<16xf32>,
        tpu.vector_store %arg11[%parallel_loop3A_275, %parallel_loop3A_276, %parallel_loop3A_277], %broadcast_in_dim3A_1 {strides = array<i32>} : memref<30x4x128xf32, #tpu.memory_space<vmem>>, vector<16xf32>,
        %parallel_loop3A_279 = arith.constant 2 : i32
        %parallel_loop3A_280 = arith.index_cast %parallel_loop3A_168 : i32 to index
        %parallel_loop3A_281 = arith.index_cast %parallel_loop3A_279 : i32 to index
        %parallel_loop3A_282 = arith.constant 96 : index
        %parallel_loop3A_283 = tpu.vector_load %arg11[%parallel_loop3A_280, %parallel_loop3A_281, %parallel_loop3A_282] {strides = array<i32>} : memref<30x4x128xf32, #tpu.memory_space<vmem>>, vector<16xf32>,
        tpu.vector_store %arg11[%parallel_loop3A_280, %parallel_loop3A_281, %parallel_loop3A_282], %broadcast_in_dim3A_1 {strides = array<i32>} : memref<30x4x128xf32, #tpu.memory_space<vmem>>, vector<16xf32>,
        %parallel_loop3A_284 = arith.constant 2 : i32
        %parallel_loop3A_285 = arith.index_cast %parallel_loop3A_168 : i32 to index
        %parallel_loop3A_286 = arith.index_cast %parallel_loop3A_284 : i32 to index
        %parallel_loop3A_287 = arith.constant 112 : index
        %parallel_loop3A_288 = tpu.vector_load %arg11[%parallel_loop3A_285, %parallel_loop3A_286, %parallel_loop3A_287] {strides = array<i32>} : memref<30x4x128xf32, #tpu.memory_space<vmem>>, vector<16xf32>,
        tpu.vector_store %arg11[%parallel_loop3A_285, %parallel_loop3A_286, %parallel_loop3A_287], %broadcast_in_dim3A_1 {strides = array<i32>} : memref<30x4x128xf32, #tpu.memory_space<vmem>>, vector<16xf32>,
        %parallel_loop3A_289 = arith.constant 3 : i32
        %parallel_loop3A_290 = arith.index_cast %parallel_loop3A_168 : i32 to index
        %parallel_loop3A_291 = arith.index_cast %parallel_loop3A_289 : i32 to index
        %parallel_loop3A_292 = arith.constant 0 : index
        %parallel_loop3A_293 = tpu.vector_load %arg11[%parallel_loop3A_290, %parallel_loop3A_291, %parallel_loop3A_292] {strides = array<i32>} : memref<30x4x128xf32, #tpu.memory_space<vmem>>, vector<16xf32>,
        tpu.vector_store %arg11[%parallel_loop3A_290, %parallel_loop3A_291, %parallel_loop3A_292], %broadcast_in_dim3A_1 {strides = array<i32>} : memref<30x4x128xf32, #tpu.memory_space<vmem>>, vector<16xf32>,
        %parallel_loop3A_294 = arith.constant 3 : i32
        %parallel_loop3A_295 = arith.index_cast %parallel_loop3A_168 : i32 to index
        %parallel_loop3A_296 = arith.index_cast %parallel_loop3A_294 : i32 to index
        %parallel_loop3A_297 = arith.constant 16 : index
        %parallel_loop3A_298 = tpu.vector_load %arg11[%parallel_loop3A_295, %parallel_loop3A_296, %parallel_loop3A_297] {strides = array<i32>} : memref<30x4x128xf32, #tpu.memory_space<vmem>>, vector<16xf32>,
        tpu.vector_store %arg11[%parallel_loop3A_295, %parallel_loop3A_296, %parallel_loop3A_297], %broadcast_in_dim3A_1 {strides = array<i32>} : memref<30x4x128xf32, #tpu.memory_space<vmem>>, vector<16xf32>,
        %parallel_loop3A_299 = arith.constant 3 : i32
        %parallel_loop3A_300 = arith.index_cast %parallel_loop3A_168 : i32 to index
        %parallel_loop3A_301 = arith.index_cast %parallel_loop3A_299 : i32 to index
        %parallel_loop3A_302 = arith.constant 32 : index
        %parallel_loop3A_303 = tpu.vector_load %arg11[%parallel_loop3A_300, %parallel_loop3A_301, %parallel_loop3A_302] {strides = array<i32>} : memref<30x4x128xf32, #tpu.memory_space<vmem>>, vector<16xf32>,
        tpu.vector_store %arg11[%parallel_loop3A_300, %parallel_loop3A_301, %parallel_loop3A_302], %broadcast_in_dim3A_1 {strides = array<i32>} : memref<30x4x128xf32, #tpu.memory_space<vmem>>, vector<16xf32>,
        %parallel_loop3A_304 = arith.constant 3 : i32
        %parallel_loop3A_305 = arith.index_cast %parallel_loop3A_168 : i32 to index
        %parallel_loop3A_306 = arith.index_cast %parallel_loop3A_304 : i32 to index
        %parallel_loop3A_307 = arith.constant 48 : index
        %parallel_loop3A_308 = tpu.vector_load %arg11[%parallel_loop3A_305, %parallel_loop3A_306, %parallel_loop3A_307] {strides = array<i32>} : memref<30x4x128xf32, #tpu.memory_space<vmem>>, vector<16xf32>,
        tpu.vector_store %arg11[%parallel_loop3A_305, %parallel_loop3A_306, %parallel_loop3A_307], %broadcast_in_dim3A_1 {strides = array<i32>} : memref<30x4x128xf32, #tpu.memory_space<vmem>>, vector<16xf32>,
        %parallel_loop3A_309 = arith.constant 3 : i32
        %parallel_loop3A_310 = arith.index_cast %parallel_loop3A_168 : i32 to index
        %parallel_loop3A_311 = arith.index_cast %parallel_loop3A_309 : i32 to index
        %parallel_loop3A_312 = arith.constant 64 : index
        %parallel_loop3A_313 = tpu.vector_load %arg11[%parallel_loop3A_310, %parallel_loop3A_311, %parallel_loop3A_312] {strides = array<i32>} : memref<30x4x128xf32, #tpu.memory_space<vmem>>, vector<16xf32>,
        tpu.vector_store %arg11[%parallel_loop3A_310, %parallel_loop3A_311, %parallel_loop3A_312], %broadcast_in_dim3A_1 {strides = array<i32>} : memref<30x4x128xf32, #tpu.memory_space<vmem>>, vector<16xf32>,
        %parallel_loop3A_314 = arith.constant 3 : i32
        %parallel_loop3A_315 = arith.index_cast %parallel_loop3A_168 : i32 to index
        %parallel_loop3A_316 = arith.index_cast %parallel_loop3A_314 : i32 to index
        %parallel_loop3A_317 = arith.constant 80 : index
        %parallel_loop3A_318 = tpu.vector_load %arg11[%parallel_loop3A_315, %parallel_loop3A_316, %parallel_loop3A_317] {strides = array<i32>} : memref<30x4x128xf32, #tpu.memory_space<vmem>>, vector<16xf32>,
        tpu.vector_store %arg11[%parallel_loop3A_315, %parallel_loop3A_316, %parallel_loop3A_317], %broadcast_in_dim3A_1 {strides = array<i32>} : memref<30x4x128xf32, #tpu.memory_space<vmem>>, vector<16xf32>,
        %parallel_loop3A_319 = arith.constant 3 : i32
        %parallel_loop3A_320 = arith.index_cast %parallel_loop3A_168 : i32 to index
        %parallel_loop3A_321 = arith.index_cast %parallel_loop3A_319 : i32 to index
        %parallel_loop3A_322 = arith.constant 96 : index
        %parallel_loop3A_323 = tpu.vector_load %arg11[%parallel_loop3A_320, %parallel_loop3A_321, %parallel_loop3A_322] {strides = array<i32>} : memref<30x4x128xf32, #tpu.memory_space<vmem>>, vector<16xf32>,
        tpu.vector_store %arg11[%parallel_loop3A_320, %parallel_loop3A_321, %parallel_loop3A_322], %broadcast_in_dim3A_1 {strides = array<i32>} : memref<30x4x128xf32, #tpu.memory_space<vmem>>, vector<16xf32>,
        %parallel_loop3A_324 = arith.constant 3 : i32
        %parallel_loop3A_325 = arith.index_cast %parallel_loop3A_168 : i32 to index
        %parallel_loop3A_326 = arith.index_cast %parallel_loop3A_324 : i32 to index
        %parallel_loop3A_327 = arith.constant 112 : index
        %parallel_loop3A_328 = tpu.vector_load %arg11[%parallel_loop3A_325, %parallel_loop3A_326, %parallel_loop3A_327] {strides = array<i32>} : memref<30x4x128xf32, #tpu.memory_space<vmem>>, vector<16xf32>,
        tpu.vector_store %arg11[%parallel_loop3A_325, %parallel_loop3A_326, %parallel_loop3A_327], %broadcast_in_dim3A_1 {strides = array<i32>} : memref<30x4x128xf32, #tpu.memory_space<vmem>>, vector<16xf32>,
      } {sc.loop_unroll_factor = 2 : i64, sc.parallel_access}
      %dma_wait3A_132 = arith.constant 0 : i32
      %dma_wait3A_133 = arith.constant 0 : i32
      %dma_wait3A_134 = arith.constant 0 : i32
      %dma_wait3A_135 = tpu.memref_slice %arg2[%add3A_7, %dma_wait3A_132, %dma_wait3A_133, %dma_wait3A_134, %mul3A_84] : memref<64x2x2x4x768xf32, #tpu.memory_space<hbm>> -> memref<1x2x2x4x128xf32, #tpu.memory_space<hbm>>
      %dma_wait3A_136 = tpu.memref_squeeze %dma_wait3A_135 : memref<1x2x2x4x128xf32, #tpu.memory_space<hbm>> -> memref<2x2x4x128xf32, #tpu.memory_space<hbm>>
      %dma_wait3A_137 = arith.constant 0 : i32
      %dma_wait3A_138 = arith.constant 0 : i32
      %dma_wait3A_139 = arith.constant 0 : i32
      %dma_wait3A_140 = tpu.memref_slice %arg2[%add3A_7, %dma_wait3A_137, %dma_wait3A_138, %dma_wait3A_139, %mul3A_84] : memref<64x2x2x4x768xf32, #tpu.memory_space<hbm>> -> memref<1x2x2x4x128xf32, #tpu.memory_space<hbm>>
      %dma_wait3A_141 = tpu.memref_squeeze %dma_wait3A_140 : memref<1x2x2x4x128xf32, #tpu.memory_space<hbm>> -> memref<2x2x4x128xf32, #tpu.memory_space<hbm>>
      tpu.wait_dma2 semaphore(%arg14 : memref<!tpu.dma_semaphore, #tpu.memory_space<semaphore_mem>>) src(%dma_wait3A_141 : memref<2x2x4x128xf32, #tpu.memory_space<hbm>>) dst(%arg7 : memref<2x2x4x128xf32, #tpu.memory_space<vmem>>)
      %dma_wait3A_142 = arith.constant 0 : i32
      %dma_wait3A_143 = arith.constant 0 : i32
      %dma_wait3A_144 = arith.constant 0 : i32
      %dma_wait3A_145 = tpu.memref_slice %arg3[%add3A_7, %dma_wait3A_142, %dma_wait3A_143, %dma_wait3A_144, %mul3A_84] : memref<64x2x2x4x768xi32, #tpu.memory_space<hbm>> -> memref<1x2x2x4x128xi32, #tpu.memory_space<hbm>>
      %dma_wait3A_146 = tpu.memref_squeeze %dma_wait3A_145 : memref<1x2x2x4x128xi32, #tpu.memory_space<hbm>> -> memref<2x2x4x128xi32, #tpu.memory_space<hbm>>
      %dma_wait3A_147 = arith.constant 0 : i32
      %dma_wait3A_148 = arith.constant 0 : i32
      %dma_wait3A_149 = arith.constant 0 : i32
      %dma_wait3A_150 = tpu.memref_slice %arg3[%add3A_7, %dma_wait3A_147, %dma_wait3A_148, %dma_wait3A_149, %mul3A_84] : memref<64x2x2x4x768xi32, #tpu.memory_space<hbm>> -> memref<1x2x2x4x128xi32, #tpu.memory_space<hbm>>
      %dma_wait3A_151 = tpu.memref_squeeze %dma_wait3A_150 : memref<1x2x2x4x128xi32, #tpu.memory_space<hbm>> -> memref<2x2x4x128xi32, #tpu.memory_space<hbm>>
      tpu.wait_dma2 semaphore(%arg16 : memref<!tpu.dma_semaphore, #tpu.memory_space<semaphore_mem>>) src(%dma_wait3A_151 : memref<2x2x4x128xi32, #tpu.memory_space<hbm>>) dst(%arg9 : memref<2x2x4x128xi32, #tpu.memory_space<vmem>>)
      %parallel_loop3A_152 = arith.constant 0 : i32
      %parallel_loop3A_153 = arith.constant 128 : i32
      %parallel_loop3A_154 = arith.constant 16 : i32
      scf.for %parallel_loop3A_168 = %parallel_loop3A_152 to %parallel_loop3A_153 step %parallel_loop3A_154  : i32 {
        %parallel_loop3A_169 = vector.broadcast %parallel_loop3A_168 : i32 to vector<16xi32>
        %parallel_loop3A_170 = arith.addi %iota3A, %parallel_loop3A_169 : vector<16xi32>
        %parallel_loop3A_171 = arith.constant 0 : i32
        %parallel_loop3A_172 = tpu.memref_reshape %arg7 : memref<2x2x4x128xf32, #tpu.memory_space<vmem>> -> memref<16x128xf32, #tpu.memory_space<vmem>>
        %parallel_loop3A_173 = arith.index_cast %parallel_loop3A_171 : i32 to index
        %parallel_loop3A_174 = arith.index_cast %parallel_loop3A_168 : i32 to index
        %parallel_loop3A_175 = tpu.vector_load %parallel_loop3A_172[%parallel_loop3A_173, %parallel_loop3A_174] {strides = array<i32>} : memref<16x128xf32, #tpu.memory_space<vmem>>, vector<16xf32>,
        %parallel_loop3A_176 = arith.constant 0 : i32
        %parallel_loop3A_177 = tpu.memref_reshape %arg9 : memref<2x2x4x128xi32, #tpu.memory_space<vmem>> -> memref<16x128xi32, #tpu.memory_space<vmem>>
        %parallel_loop3A_178 = arith.index_cast %parallel_loop3A_176 : i32 to index
        %parallel_loop3A_179 = arith.index_cast %parallel_loop3A_168 : i32 to index
        %parallel_loop3A_180 = tpu.vector_load %parallel_loop3A_177[%parallel_loop3A_178, %parallel_loop3A_179] {strides = array<i32>} : memref<16x128xi32, #tpu.memory_space<vmem>>, vector<16xi32>,
        %parallel_loop3A_181 = tpu.vector_load_idx %arg12[%parallel_loop3A_180] : memref<128xi32, #tpu.memory_space<vmem>>[vector<16xi32>], vector<16xi32>,
        %parallel_loop3A_182 = tpu.memref_reshape %arg11 : memref<30x4x128xf32, #tpu.memory_space<vmem>> -> memref<120x128xf32, #tpu.memory_space<vmem>>
        tpu.vector_store_idx %parallel_loop3A_182[%parallel_loop3A_181, %parallel_loop3A_170], %parallel_loop3A_175 : memref<120x128xf32, #tpu.memory_space<vmem>>[vector<16xi32>, vector<16xi32>], vector<16xf32>,
        %parallel_loop3A_183 = arith.constant 1 : i32
        %parallel_loop3A_184 = tpu.memref_reshape %arg7 : memref<2x2x4x128xf32, #tpu.memory_space<vmem>> -> memref<16x128xf32, #tpu.memory_space<vmem>>
        %parallel_loop3A_185 = arith.index_cast %parallel_loop3A_183 : i32 to index
        %parallel_loop3A_186 = arith.index_cast %parallel_loop3A_168 : i32 to index
        %parallel_loop3A_187 = tpu.vector_load %parallel_loop3A_184[%parallel_loop3A_185, %parallel_loop3A_186] {strides = array<i32>} : memref<16x128xf32, #tpu.memory_space<vmem>>, vector<16xf32>,
        %parallel_loop3A_188 = arith.constant 1 : i32
        %parallel_loop3A_189 = tpu.memref_reshape %arg9 : memref<2x2x4x128xi32, #tpu.memory_space<vmem>> -> memref<16x128xi32, #tpu.memory_space<vmem>>
        %parallel_loop3A_190 = arith.index_cast %parallel_loop3A_188 : i32 to index
        %parallel_loop3A_191 = arith.index_cast %parallel_loop3A_168 : i32 to index
        %parallel_loop3A_192 = tpu.vector_load %parallel_loop3A_189[%parallel_loop3A_190, %parallel_loop3A_191] {strides = array<i32>} : memref<16x128xi32, #tpu.memory_space<vmem>>, vector<16xi32>,
        %parallel_loop3A_193 = tpu.vector_load_idx %arg12[%parallel_loop3A_192] : memref<128xi32, #tpu.memory_space<vmem>>[vector<16xi32>], vector<16xi32>,
        %parallel_loop3A_194 = tpu.memref_reshape %arg11 : memref<30x4x128xf32, #tpu.memory_space<vmem>> -> memref<120x128xf32, #tpu.memory_space<vmem>>
        tpu.vector_store_idx %parallel_loop3A_194[%parallel_loop3A_193, %parallel_loop3A_170], %parallel_loop3A_187 : memref<120x128xf32, #tpu.memory_space<vmem>>[vector<16xi32>, vector<16xi32>], vector<16xf32>,
        %parallel_loop3A_195 = arith.constant 2 : i32
        %parallel_loop3A_196 = tpu.memref_reshape %arg7 : memref<2x2x4x128xf32, #tpu.memory_space<vmem>> -> memref<16x128xf32, #tpu.memory_space<vmem>>
        %parallel_loop3A_197 = arith.index_cast %parallel_loop3A_195 : i32 to index
        %parallel_loop3A_198 = arith.index_cast %parallel_loop3A_168 : i32 to index
        %parallel_loop3A_199 = tpu.vector_load %parallel_loop3A_196[%parallel_loop3A_197, %parallel_loop3A_198] {strides = array<i32>} : memref<16x128xf32, #tpu.memory_space<vmem>>, vector<16xf32>,
        %parallel_loop3A_200 = arith.constant 2 : i32
        %parallel_loop3A_201 = tpu.memref_reshape %arg9 : memref<2x2x4x128xi32, #tpu.memory_space<vmem>> -> memref<16x128xi32, #tpu.memory_space<vmem>>
        %parallel_loop3A_202 = arith.index_cast %parallel_loop3A_200 : i32 to index
        %parallel_loop3A_203 = arith.index_cast %parallel_loop3A_168 : i32 to index
        %parallel_loop3A_204 = tpu.vector_load %parallel_loop3A_201[%parallel_loop3A_202, %parallel_loop3A_203] {strides = array<i32>} : memref<16x128xi32, #tpu.memory_space<vmem>>, vector<16xi32>,
        %parallel_loop3A_205 = tpu.vector_load_idx %arg12[%parallel_loop3A_204] : memref<128xi32, #tpu.memory_space<vmem>>[vector<16xi32>], vector<16xi32>,
        %parallel_loop3A_206 = tpu.memref_reshape %arg11 : memref<30x4x128xf32, #tpu.memory_space<vmem>> -> memref<120x128xf32, #tpu.memory_space<vmem>>
        tpu.vector_store_idx %parallel_loop3A_206[%parallel_loop3A_205, %parallel_loop3A_170], %parallel_loop3A_199 : memref<120x128xf32, #tpu.memory_space<vmem>>[vector<16xi32>, vector<16xi32>], vector<16xf32>,
        %parallel_loop3A_207 = arith.constant 3 : i32
        %parallel_loop3A_208 = tpu.memref_reshape %arg7 : memref<2x2x4x128xf32, #tpu.memory_space<vmem>> -> memref<16x128xf32, #tpu.memory_space<vmem>>
        %parallel_loop3A_209 = arith.index_cast %parallel_loop3A_207 : i32 to index
        %parallel_loop3A_210 = arith.index_cast %parallel_loop3A_168 : i32 to index
        %parallel_loop3A_211 = tpu.vector_load %parallel_loop3A_208[%parallel_loop3A_209, %parallel_loop3A_210] {strides = array<i32>} : memref<16x128xf32, #tpu.memory_space<vmem>>, vector<16xf32>,
        %parallel_loop3A_212 = arith.constant 3 : i32
        %parallel_loop3A_213 = tpu.memref_reshape %arg9 : memref<2x2x4x128xi32, #tpu.memory_space<vmem>> -> memref<16x128xi32, #tpu.memory_space<vmem>>
        %parallel_loop3A_214 = arith.index_cast %parallel_loop3A_212 : i32 to index
        %parallel_loop3A_215 = arith.index_cast %parallel_loop3A_168 : i32 to index
        %parallel_loop3A_216 = tpu.vector_load %parallel_loop3A_213[%parallel_loop3A_214, %parallel_loop3A_215] {strides = array<i32>} : memref<16x128xi32, #tpu.memory_space<vmem>>, vector<16xi32>,
        %parallel_loop3A_217 = tpu.vector_load_idx %arg12[%parallel_loop3A_216] : memref<128xi32, #tpu.memory_space<vmem>>[vector<16xi32>], vector<16xi32>,
        %parallel_loop3A_218 = tpu.memref_reshape %arg11 : memref<30x4x128xf32, #tpu.memory_space<vmem>> -> memref<120x128xf32, #tpu.memory_space<vmem>>
        tpu.vector_store_idx %parallel_loop3A_218[%parallel_loop3A_217, %parallel_loop3A_170], %parallel_loop3A_211 : memref<120x128xf32, #tpu.memory_space<vmem>>[vector<16xi32>, vector<16xi32>], vector<16xf32>,
        %parallel_loop3A_219 = arith.constant 4 : i32
        %parallel_loop3A_220 = tpu.memref_reshape %arg7 : memref<2x2x4x128xf32, #tpu.memory_space<vmem>> -> memref<16x128xf32, #tpu.memory_space<vmem>>
        %parallel_loop3A_221 = arith.index_cast %parallel_loop3A_219 : i32 to index
        %parallel_loop3A_222 = arith.index_cast %parallel_loop3A_168 : i32 to index
        %parallel_loop3A_223 = tpu.vector_load %parallel_loop3A_220[%parallel_loop3A_221, %parallel_loop3A_222] {strides = array<i32>} : memref<16x128xf32, #tpu.memory_space<vmem>>, vector<16xf32>,
        %parallel_loop3A_224 = arith.constant 4 : i32
        %parallel_loop3A_225 = tpu.memref_reshape %arg9 : memref<2x2x4x128xi32, #tpu.memory_space<vmem>> -> memref<16x128xi32, #tpu.memory_space<vmem>>
        %parallel_loop3A_226 = arith.index_cast %parallel_loop3A_224 : i32 to index
        %parallel_loop3A_227 = arith.index_cast %parallel_loop3A_168 : i32 to index
        %parallel_loop3A_228 = tpu.vector_load %parallel_loop3A_225[%parallel_loop3A_226, %parallel_loop3A_227] {strides = array<i32>} : memref<16x128xi32, #tpu.memory_space<vmem>>, vector<16xi32>,
        %parallel_loop3A_229 = tpu.vector_load_idx %arg12[%parallel_loop3A_228] : memref<128xi32, #tpu.memory_space<vmem>>[vector<16xi32>], vector<16xi32>,
        %parallel_loop3A_230 = tpu.memref_reshape %arg11 : memref<30x4x128xf32, #tpu.memory_space<vmem>> -> memref<120x128xf32, #tpu.memory_space<vmem>>
        tpu.vector_store_idx %parallel_loop3A_230[%parallel_loop3A_229, %parallel_loop3A_170], %parallel_loop3A_223 : memref<120x128xf32, #tpu.memory_space<vmem>>[vector<16xi32>, vector<16xi32>], vector<16xf32>,
        %parallel_loop3A_231 = arith.constant 5 : i32
        %parallel_loop3A_232 = tpu.memref_reshape %arg7 : memref<2x2x4x128xf32, #tpu.memory_space<vmem>> -> memref<16x128xf32, #tpu.memory_space<vmem>>
        %parallel_loop3A_233 = arith.index_cast %parallel_loop3A_231 : i32 to index
        %parallel_loop3A_234 = arith.index_cast %parallel_loop3A_168 : i32 to index
        %parallel_loop3A_235 = tpu.vector_load %parallel_loop3A_232[%parallel_loop3A_233, %parallel_loop3A_234] {strides = array<i32>} : memref<16x128xf32, #tpu.memory_space<vmem>>, vector<16xf32>,
        %parallel_loop3A_236 = arith.constant 5 : i32
        %parallel_loop3A_237 = tpu.memref_reshape %arg9 : memref<2x2x4x128xi32, #tpu.memory_space<vmem>> -> memref<16x128xi32, #tpu.memory_space<vmem>>
        %parallel_loop3A_238 = arith.index_cast %parallel_loop3A_236 : i32 to index
        %parallel_loop3A_239 = arith.index_cast %parallel_loop3A_168 : i32 to index
        %parallel_loop3A_240 = tpu.vector_load %parallel_loop3A_237[%parallel_loop3A_238, %parallel_loop3A_239] {strides = array<i32>} : memref<16x128xi32, #tpu.memory_space<vmem>>, vector<16xi32>,
        %parallel_loop3A_241 = tpu.vector_load_idx %arg12[%parallel_loop3A_240] : memref<128xi32, #tpu.memory_space<vmem>>[vector<16xi32>], vector<16xi32>,
        %parallel_loop3A_242 = tpu.memref_reshape %arg11 : memref<30x4x128xf32, #tpu.memory_space<vmem>> -> memref<120x128xf32, #tpu.memory_space<vmem>>
        tpu.vector_store_idx %parallel_loop3A_242[%parallel_loop3A_241, %parallel_loop3A_170], %parallel_loop3A_235 : memref<120x128xf32, #tpu.memory_space<vmem>>[vector<16xi32>, vector<16xi32>], vector<16xf32>,
        %parallel_loop3A_243 = arith.constant 6 : i32
        %parallel_loop3A_244 = tpu.memref_reshape %arg7 : memref<2x2x4x128xf32, #tpu.memory_space<vmem>> -> memref<16x128xf32, #tpu.memory_space<vmem>>
        %parallel_loop3A_245 = arith.index_cast %parallel_loop3A_243 : i32 to index
        %parallel_loop3A_246 = arith.index_cast %parallel_loop3A_168 : i32 to index
        %parallel_loop3A_247 = tpu.vector_load %parallel_loop3A_244[%parallel_loop3A_245, %parallel_loop3A_246] {strides = array<i32>} : memref<16x128xf32, #tpu.memory_space<vmem>>, vector<16xf32>,
        %parallel_loop3A_248 = arith.constant 6 : i32
        %parallel_loop3A_249 = tpu.memref_reshape %arg9 : memref<2x2x4x128xi32, #tpu.memory_space<vmem>> -> memref<16x128xi32, #tpu.memory_space<vmem>>
        %parallel_loop3A_250 = arith.index_cast %parallel_loop3A_248 : i32 to index
        %parallel_loop3A_251 = arith.index_cast %parallel_loop3A_168 : i32 to index
        %parallel_loop3A_252 = tpu.vector_load %parallel_loop3A_249[%parallel_loop3A_250, %parallel_loop3A_251] {strides = array<i32>} : memref<16x128xi32, #tpu.memory_space<vmem>>, vector<16xi32>,
        %parallel_loop3A_253 = tpu.vector_load_idx %arg12[%parallel_loop3A_252] : memref<128xi32, #tpu.memory_space<vmem>>[vector<16xi32>], vector<16xi32>,
        %parallel_loop3A_254 = tpu.memref_reshape %arg11 : memref<30x4x128xf32, #tpu.memory_space<vmem>> -> memref<120x128xf32, #tpu.memory_space<vmem>>
        tpu.vector_store_idx %parallel_loop3A_254[%parallel_loop3A_253, %parallel_loop3A_170], %parallel_loop3A_247 : memref<120x128xf32, #tpu.memory_space<vmem>>[vector<16xi32>, vector<16xi32>], vector<16xf32>,
        %parallel_loop3A_255 = arith.constant 7 : i32
        %parallel_loop3A_256 = tpu.memref_reshape %arg7 : memref<2x2x4x128xf32, #tpu.memory_space<vmem>> -> memref<16x128xf32, #tpu.memory_space<vmem>>
        %parallel_loop3A_257 = arith.index_cast %parallel_loop3A_255 : i32 to index
        %parallel_loop3A_258 = arith.index_cast %parallel_loop3A_168 : i32 to index
        %parallel_loop3A_259 = tpu.vector_load %parallel_loop3A_256[%parallel_loop3A_257, %parallel_loop3A_258] {strides = array<i32>} : memref<16x128xf32, #tpu.memory_space<vmem>>, vector<16xf32>,
        %parallel_loop3A_260 = arith.constant 7 : i32
        %parallel_loop3A_261 = tpu.memref_reshape %arg9 : memref<2x2x4x128xi32, #tpu.memory_space<vmem>> -> memref<16x128xi32, #tpu.memory_space<vmem>>
        %parallel_loop3A_262 = arith.index_cast %parallel_loop3A_260 : i32 to index
        %parallel_loop3A_263 = arith.index_cast %parallel_loop3A_168 : i32 to index
        %parallel_loop3A_264 = tpu.vector_load %parallel_loop3A_261[%parallel_loop3A_262, %parallel_loop3A_263] {strides = array<i32>} : memref<16x128xi32, #tpu.memory_space<vmem>>, vector<16xi32>,
        %parallel_loop3A_265 = tpu.vector_load_idx %arg12[%parallel_loop3A_264] : memref<128xi32, #tpu.memory_space<vmem>>[vector<16xi32>], vector<16xi32>,
        %parallel_loop3A_266 = tpu.memref_reshape %arg11 : memref<30x4x128xf32, #tpu.memory_space<vmem>> -> memref<120x128xf32, #tpu.memory_space<vmem>>
        tpu.vector_store_idx %parallel_loop3A_266[%parallel_loop3A_265, %parallel_loop3A_170], %parallel_loop3A_259 : memref<120x128xf32, #tpu.memory_space<vmem>>[vector<16xi32>, vector<16xi32>], vector<16xf32>,
        %parallel_loop3A_267 = arith.constant 8 : i32
        %parallel_loop3A_268 = tpu.memref_reshape %arg7 : memref<2x2x4x128xf32, #tpu.memory_space<vmem>> -> memref<16x128xf32, #tpu.memory_space<vmem>>
        %parallel_loop3A_269 = arith.index_cast %parallel_loop3A_267 : i32 to index
        %parallel_loop3A_270 = arith.index_cast %parallel_loop3A_168 : i32 to index
        %parallel_loop3A_271 = tpu.vector_load %parallel_loop3A_268[%parallel_loop3A_269, %parallel_loop3A_270] {strides = array<i32>} : memref<16x128xf32, #tpu.memory_space<vmem>>, vector<16xf32>,
        %parallel_loop3A_272 = arith.constant 8 : i32
        %parallel_loop3A_273 = tpu.memref_reshape %arg9 : memref<2x2x4x128xi32, #tpu.memory_space<vmem>> -> memref<16x128xi32, #tpu.memory_space<vmem>>
        %parallel_loop3A_274 = arith.index_cast %parallel_loop3A_272 : i32 to index
        %parallel_loop3A_275 = arith.index_cast %parallel_loop3A_168 : i32 to index
        %parallel_loop3A_276 = tpu.vector_load %parallel_loop3A_273[%parallel_loop3A_274, %parallel_loop3A_275] {strides = array<i32>} : memref<16x128xi32, #tpu.memory_space<vmem>>, vector<16xi32>,
        %parallel_loop3A_277 = tpu.vector_load_idx %arg12[%parallel_loop3A_276] : memref<128xi32, #tpu.memory_space<vmem>>[vector<16xi32>], vector<16xi32>,
        %parallel_loop3A_278 = tpu.memref_reshape %arg11 : memref<30x4x128xf32, #tpu.memory_space<vmem>> -> memref<120x128xf32, #tpu.memory_space<vmem>>
        tpu.vector_store_idx %parallel_loop3A_278[%parallel_loop3A_277, %parallel_loop3A_170], %parallel_loop3A_271 : memref<120x128xf32, #tpu.memory_space<vmem>>[vector<16xi32>, vector<16xi32>], vector<16xf32>,
        %parallel_loop3A_279 = arith.constant 9 : i32
        %parallel_loop3A_280 = tpu.memref_reshape %arg7 : memref<2x2x4x128xf32, #tpu.memory_space<vmem>> -> memref<16x128xf32, #tpu.memory_space<vmem>>
        %parallel_loop3A_281 = arith.index_cast %parallel_loop3A_279 : i32 to index
        %parallel_loop3A_282 = arith.index_cast %parallel_loop3A_168 : i32 to index
        %parallel_loop3A_283 = tpu.vector_load %parallel_loop3A_280[%parallel_loop3A_281, %parallel_loop3A_282] {strides = array<i32>} : memref<16x128xf32, #tpu.memory_space<vmem>>, vector<16xf32>,
        %parallel_loop3A_284 = arith.constant 9 : i32
        %parallel_loop3A_285 = tpu.memref_reshape %arg9 : memref<2x2x4x128xi32, #tpu.memory_space<vmem>> -> memref<16x128xi32, #tpu.memory_space<vmem>>
        %parallel_loop3A_286 = arith.index_cast %parallel_loop3A_284 : i32 to index
        %parallel_loop3A_287 = arith.index_cast %parallel_loop3A_168 : i32 to index
        %parallel_loop3A_288 = tpu.vector_load %parallel_loop3A_285[%parallel_loop3A_286, %parallel_loop3A_287] {strides = array<i32>} : memref<16x128xi32, #tpu.memory_space<vmem>>, vector<16xi32>,
        %parallel_loop3A_289 = tpu.vector_load_idx %arg12[%parallel_loop3A_288] : memref<128xi32, #tpu.memory_space<vmem>>[vector<16xi32>], vector<16xi32>,
        %parallel_loop3A_290 = tpu.memref_reshape %arg11 : memref<30x4x128xf32, #tpu.memory_space<vmem>> -> memref<120x128xf32, #tpu.memory_space<vmem>>
        tpu.vector_store_idx %parallel_loop3A_290[%parallel_loop3A_289, %parallel_loop3A_170], %parallel_loop3A_283 : memref<120x128xf32, #tpu.memory_space<vmem>>[vector<16xi32>, vector<16xi32>], vector<16xf32>,
        %parallel_loop3A_291 = arith.constant 10 : i32
        %parallel_loop3A_292 = tpu.memref_reshape %arg7 : memref<2x2x4x128xf32, #tpu.memory_space<vmem>> -> memref<16x128xf32, #tpu.memory_space<vmem>>
        %parallel_loop3A_293 = arith.index_cast %parallel_loop3A_291 : i32 to index
        %parallel_loop3A_294 = arith.index_cast %parallel_loop3A_168 : i32 to index
        %parallel_loop3A_295 = tpu.vector_load %parallel_loop3A_292[%parallel_loop3A_293, %parallel_loop3A_294] {strides = array<i32>} : memref<16x128xf32, #tpu.memory_space<vmem>>, vector<16xf32>,
        %parallel_loop3A_296 = arith.constant 10 : i32
        %parallel_loop3A_297 = tpu.memref_reshape %arg9 : memref<2x2x4x128xi32, #tpu.memory_space<vmem>> -> memref<16x128xi32, #tpu.memory_space<vmem>>
        %parallel_loop3A_298 = arith.index_cast %parallel_loop3A_296 : i32 to index
        %parallel_loop3A_299 = arith.index_cast %parallel_loop3A_168 : i32 to index
        %parallel_loop3A_300 = tpu.vector_load %parallel_loop3A_297[%parallel_loop3A_298, %parallel_loop3A_299] {strides = array<i32>} : memref<16x128xi32, #tpu.memory_space<vmem>>, vector<16xi32>,
        %parallel_loop3A_301 = tpu.vector_load_idx %arg12[%parallel_loop3A_300] : memref<128xi32, #tpu.memory_space<vmem>>[vector<16xi32>], vector<16xi32>,
        %parallel_loop3A_302 = tpu.memref_reshape %arg11 : memref<30x4x128xf32, #tpu.memory_space<vmem>> -> memref<120x128xf32, #tpu.memory_space<vmem>>
        tpu.vector_store_idx %parallel_loop3A_302[%parallel_loop3A_301, %parallel_loop3A_170], %parallel_loop3A_295 : memref<120x128xf32, #tpu.memory_space<vmem>>[vector<16xi32>, vector<16xi32>], vector<16xf32>,
        %parallel_loop3A_303 = arith.constant 11 : i32
        %parallel_loop3A_304 = tpu.memref_reshape %arg7 : memref<2x2x4x128xf32, #tpu.memory_space<vmem>> -> memref<16x128xf32, #tpu.memory_space<vmem>>
        %parallel_loop3A_305 = arith.index_cast %parallel_loop3A_303 : i32 to index
        %parallel_loop3A_306 = arith.index_cast %parallel_loop3A_168 : i32 to index
        %parallel_loop3A_307 = tpu.vector_load %parallel_loop3A_304[%parallel_loop3A_305, %parallel_loop3A_306] {strides = array<i32>} : memref<16x128xf32, #tpu.memory_space<vmem>>, vector<16xf32>,
        %parallel_loop3A_308 = arith.constant 11 : i32
        %parallel_loop3A_309 = tpu.memref_reshape %arg9 : memref<2x2x4x128xi32, #tpu.memory_space<vmem>> -> memref<16x128xi32, #tpu.memory_space<vmem>>
        %parallel_loop3A_310 = arith.index_cast %parallel_loop3A_308 : i32 to index
        %parallel_loop3A_311 = arith.index_cast %parallel_loop3A_168 : i32 to index
        %parallel_loop3A_312 = tpu.vector_load %parallel_loop3A_309[%parallel_loop3A_310, %parallel_loop3A_311] {strides = array<i32>} : memref<16x128xi32, #tpu.memory_space<vmem>>, vector<16xi32>,
        %parallel_loop3A_313 = tpu.vector_load_idx %arg12[%parallel_loop3A_312] : memref<128xi32, #tpu.memory_space<vmem>>[vector<16xi32>], vector<16xi32>,
        %parallel_loop3A_314 = tpu.memref_reshape %arg11 : memref<30x4x128xf32, #tpu.memory_space<vmem>> -> memref<120x128xf32, #tpu.memory_space<vmem>>
        tpu.vector_store_idx %parallel_loop3A_314[%parallel_loop3A_313, %parallel_loop3A_170], %parallel_loop3A_307 : memref<120x128xf32, #tpu.memory_space<vmem>>[vector<16xi32>, vector<16xi32>], vector<16xf32>,
        %parallel_loop3A_315 = arith.constant 12 : i32
        %parallel_loop3A_316 = tpu.memref_reshape %arg7 : memref<2x2x4x128xf32, #tpu.memory_space<vmem>> -> memref<16x128xf32, #tpu.memory_space<vmem>>
        %parallel_loop3A_317 = arith.index_cast %parallel_loop3A_315 : i32 to index
        %parallel_loop3A_318 = arith.index_cast %parallel_loop3A_168 : i32 to index
        %parallel_loop3A_319 = tpu.vector_load %parallel_loop3A_316[%parallel_loop3A_317, %parallel_loop3A_318] {strides = array<i32>} : memref<16x128xf32, #tpu.memory_space<vmem>>, vector<16xf32>,
        %parallel_loop3A_320 = arith.constant 12 : i32
        %parallel_loop3A_321 = tpu.memref_reshape %arg9 : memref<2x2x4x128xi32, #tpu.memory_space<vmem>> -> memref<16x128xi32, #tpu.memory_space<vmem>>
        %parallel_loop3A_322 = arith.index_cast %parallel_loop3A_320 : i32 to index
        %parallel_loop3A_323 = arith.index_cast %parallel_loop3A_168 : i32 to index
        %parallel_loop3A_324 = tpu.vector_load %parallel_loop3A_321[%parallel_loop3A_322, %parallel_loop3A_323] {strides = array<i32>} : memref<16x128xi32, #tpu.memory_space<vmem>>, vector<16xi32>,
        %parallel_loop3A_325 = tpu.vector_load_idx %arg12[%parallel_loop3A_324] : memref<128xi32, #tpu.memory_space<vmem>>[vector<16xi32>], vector<16xi32>,
        %parallel_loop3A_326 = tpu.memref_reshape %arg11 : memref<30x4x128xf32, #tpu.memory_space<vmem>> -> memref<120x128xf32, #tpu.memory_space<vmem>>
        tpu.vector_store_idx %parallel_loop3A_326[%parallel_loop3A_325, %parallel_loop3A_170], %parallel_loop3A_319 : memref<120x128xf32, #tpu.memory_space<vmem>>[vector<16xi32>, vector<16xi32>], vector<16xf32>,
        %parallel_loop3A_327 = arith.constant 13 : i32
        %parallel_loop3A_328 = tpu.memref_reshape %arg7 : memref<2x2x4x128xf32, #tpu.memory_space<vmem>> -> memref<16x128xf32, #tpu.memory_space<vmem>>
        %parallel_loop3A_329 = arith.index_cast %parallel_loop3A_327 : i32 to index
        %parallel_loop3A_330 = arith.index_cast %parallel_loop3A_168 : i32 to index
        %parallel_loop3A_331 = tpu.vector_load %parallel_loop3A_328[%parallel_loop3A_329, %parallel_loop3A_330] {strides = array<i32>} : memref<16x128xf32, #tpu.memory_space<vmem>>, vector<16xf32>,
        %parallel_loop3A_332 = arith.constant 13 : i32
        %parallel_loop3A_333 = tpu.memref_reshape %arg9 : memref<2x2x4x128xi32, #tpu.memory_space<vmem>> -> memref<16x128xi32, #tpu.memory_space<vmem>>
        %parallel_loop3A_334 = arith.index_cast %parallel_loop3A_332 : i32 to index
        %parallel_loop3A_335 = arith.index_cast %parallel_loop3A_168 : i32 to index
        %parallel_loop3A_336 = tpu.vector_load %parallel_loop3A_333[%parallel_loop3A_334, %parallel_loop3A_335] {strides = array<i32>} : memref<16x128xi32, #tpu.memory_space<vmem>>, vector<16xi32>,
        %parallel_loop3A_337 = tpu.vector_load_idx %arg12[%parallel_loop3A_336] : memref<128xi32, #tpu.memory_space<vmem>>[vector<16xi32>], vector<16xi32>,
        %parallel_loop3A_338 = tpu.memref_reshape %arg11 : memref<30x4x128xf32, #tpu.memory_space<vmem>> -> memref<120x128xf32, #tpu.memory_space<vmem>>
        tpu.vector_store_idx %parallel_loop3A_338[%parallel_loop3A_337, %parallel_loop3A_170], %parallel_loop3A_331 : memref<120x128xf32, #tpu.memory_space<vmem>>[vector<16xi32>, vector<16xi32>], vector<16xf32>,
        %parallel_loop3A_339 = arith.constant 14 : i32
        %parallel_loop3A_340 = tpu.memref_reshape %arg7 : memref<2x2x4x128xf32, #tpu.memory_space<vmem>> -> memref<16x128xf32, #tpu.memory_space<vmem>>
        %parallel_loop3A_341 = arith.index_cast %parallel_loop3A_339 : i32 to index
        %parallel_loop3A_342 = arith.index_cast %parallel_loop3A_168 : i32 to index
        %parallel_loop3A_343 = tpu.vector_load %parallel_loop3A_340[%parallel_loop3A_341, %parallel_loop3A_342] {strides = array<i32>} : memref<16x128xf32, #tpu.memory_space<vmem>>, vector<16xf32>,
        %parallel_loop3A_344 = arith.constant 14 : i32
        %parallel_loop3A_345 = tpu.memref_reshape %arg9 : memref<2x2x4x128xi32, #tpu.memory_space<vmem>> -> memref<16x128xi32, #tpu.memory_space<vmem>>
        %parallel_loop3A_346 = arith.index_cast %parallel_loop3A_344 : i32 to index
        %parallel_loop3A_347 = arith.index_cast %parallel_loop3A_168 : i32 to index
        %parallel_loop3A_348 = tpu.vector_load %parallel_loop3A_345[%parallel_loop3A_346, %parallel_loop3A_347] {strides = array<i32>} : memref<16x128xi32, #tpu.memory_space<vmem>>, vector<16xi32>,
        %parallel_loop3A_349 = tpu.vector_load_idx %arg12[%parallel_loop3A_348] : memref<128xi32, #tpu.memory_space<vmem>>[vector<16xi32>], vector<16xi32>,
        %parallel_loop3A_350 = tpu.memref_reshape %arg11 : memref<30x4x128xf32, #tpu.memory_space<vmem>> -> memref<120x128xf32, #tpu.memory_space<vmem>>
        tpu.vector_store_idx %parallel_loop3A_350[%parallel_loop3A_349, %parallel_loop3A_170], %parallel_loop3A_343 : memref<120x128xf32, #tpu.memory_space<vmem>>[vector<16xi32>, vector<16xi32>], vector<16xf32>,
        %parallel_loop3A_351 = arith.constant 15 : i32
        %parallel_loop3A_352 = tpu.memref_reshape %arg7 : memref<2x2x4x128xf32, #tpu.memory_space<vmem>> -> memref<16x128xf32, #tpu.memory_space<vmem>>
        %parallel_loop3A_353 = arith.index_cast %parallel_loop3A_351 : i32 to index
        %parallel_loop3A_354 = arith.index_cast %parallel_loop3A_168 : i32 to index
        %parallel_loop3A_355 = tpu.vector_load %parallel_loop3A_352[%parallel_loop3A_353, %parallel_loop3A_354] {strides = array<i32>} : memref<16x128xf32, #tpu.memory_space<vmem>>, vector<16xf32>,
        %parallel_loop3A_356 = arith.constant 15 : i32
        %parallel_loop3A_357 = tpu.memref_reshape %arg9 : memref<2x2x4x128xi32, #tpu.memory_space<vmem>> -> memref<16x128xi32, #tpu.memory_space<vmem>>
        %parallel_loop3A_358 = arith.index_cast %parallel_loop3A_356 : i32 to index
        %parallel_loop3A_359 = arith.index_cast %parallel_loop3A_168 : i32 to index
        %parallel_loop3A_360 = tpu.vector_load %parallel_loop3A_357[%parallel_loop3A_358, %parallel_loop3A_359] {strides = array<i32>} : memref<16x128xi32, #tpu.memory_space<vmem>>, vector<16xi32>,
        %parallel_loop3A_361 = tpu.vector_load_idx %arg12[%parallel_loop3A_360] : memref<128xi32, #tpu.memory_space<vmem>>[vector<16xi32>], vector<16xi32>,
        %parallel_loop3A_362 = tpu.memref_reshape %arg11 : memref<30x4x128xf32, #tpu.memory_space<vmem>> -> memref<120x128xf32, #tpu.memory_space<vmem>>
        tpu.vector_store_idx %parallel_loop3A_362[%parallel_loop3A_361, %parallel_loop3A_170], %parallel_loop3A_355 : memref<120x128xf32, #tpu.memory_space<vmem>>[vector<16xi32>, vector<16xi32>], vector<16xf32>,
      } {sc.loop_unroll_factor = 4 : i64, sc.parallel_access}
      %lt3A_155 = arith.constant 5 : i32
      %lt3A_156 = arith.cmpi slt, %add3A_82, %lt3A_155 : i32
      %convert_element_type3A_157 = arith.extui %lt3A_156 : i1 to i32
      %cond3A_158 = arith.constant 0 : i32
      %cond3A_159 = arith.cmpi ne, %convert_element_type3A_157, %cond3A_158 : i32
      scf.if %cond3A_159 {
        %add3A_168 = arith.constant 1 : i32
        %add3A_169 = arith.addi %add3A_82, %add3A_168 : i32
        %mul3A_170 = arith.constant 128 : i32
        %mul3A_171 = arith.muli %add3A_169, %mul3A_170 : i32
        %dma_start3A_172 = arith.constant 0 : i32
        %dma_start3A_173 = arith.constant 0 : i32
        %dma_start3A_174 = arith.constant 0 : i32
        %dma_start3A_175 = tpu.memref_slice %arg2[%add3A_7, %dma_start3A_172, %dma_start3A_173, %dma_start3A_174, %mul3A_171] : memref<64x2x2x4x768xf32, #tpu.memory_space<hbm>> -> memref<1x2x2x4x128xf32, #tpu.memory_space<hbm>>
        %dma_start3A_176 = tpu.memref_squeeze %dma_start3A_175 : memref<1x2x2x4x128xf32, #tpu.memory_space<hbm>> -> memref<2x2x4x128xf32, #tpu.memory_space<hbm>>
        %dma_start3A_177 = arith.constant 0 : i32
        %dma_start3A_178 = arith.constant 0 : i32
        %dma_start3A_179 = arith.constant 0 : i32
        %dma_start3A_180 = tpu.memref_slice %arg2[%add3A_7, %dma_start3A_177, %dma_start3A_178, %dma_start3A_179, %mul3A_171] : memref<64x2x2x4x768xf32, #tpu.memory_space<hbm>> -> memref<1x2x2x4x128xf32, #tpu.memory_space<hbm>>
        %dma_start3A_181 = tpu.memref_squeeze %dma_start3A_180 : memref<1x2x2x4x128xf32, #tpu.memory_space<hbm>> -> memref<2x2x4x128xf32, #tpu.memory_space<hbm>>
        tpu.enqueue_dma source(%dma_start3A_181 : memref<2x2x4x128xf32, #tpu.memory_space<hbm>>) target(%arg7 : memref<2x2x4x128xf32, #tpu.memory_space<vmem>>) target_semaphore(%arg14 : memref<!tpu.dma_semaphore, #tpu.memory_space<semaphore_mem>>)
        %dma_start3A_182 = arith.constant 0 : i32
        %dma_start3A_183 = arith.constant 0 : i32
        %dma_start3A_184 = arith.constant 0 : i32
        %dma_start3A_185 = tpu.memref_slice %arg3[%add3A_7, %dma_start3A_182, %dma_start3A_183, %dma_start3A_184, %mul3A_171] : memref<64x2x2x4x768xi32, #tpu.memory_space<hbm>> -> memref<1x2x2x4x128xi32, #tpu.memory_space<hbm>>
        %dma_start3A_186 = tpu.memref_squeeze %dma_start3A_185 : memref<1x2x2x4x128xi32, #tpu.memory_space<hbm>> -> memref<2x2x4x128xi32, #tpu.memory_space<hbm>>
        %dma_start3A_187 = arith.constant 0 : i32
        %dma_start3A_188 = arith.constant 0 : i32
        %dma_start3A_189 = arith.constant 0 : i32
        %dma_start3A_190 = tpu.memref_slice %arg3[%add3A_7, %dma_start3A_187, %dma_start3A_188, %dma_start3A_189, %mul3A_171] : memref<64x2x2x4x768xi32, #tpu.memory_space<hbm>> -> memref<1x2x2x4x128xi32, #tpu.memory_space<hbm>>
        %dma_start3A_191 = tpu.memref_squeeze %dma_start3A_190 : memref<1x2x2x4x128xi32, #tpu.memory_space<hbm>> -> memref<2x2x4x128xi32, #tpu.memory_space<hbm>>
        tpu.enqueue_dma source(%dma_start3A_191 : memref<2x2x4x128xi32, #tpu.memory_space<hbm>>) target(%arg9 : memref<2x2x4x128xi32, #tpu.memory_space<vmem>>) target_semaphore(%arg16 : memref<!tpu.dma_semaphore, #tpu.memory_space<semaphore_mem>>)
      } else {
      }
      %dma_start3A_160 = arith.constant 0 : i32
      %dma_start3A_161 = arith.constant 0 : i32
      %dma_start3A_162 = tpu.memref_slice %arg5[%add3A_7, %dma_start3A_160, %dma_start3A_161, %mul3A_84] : memref<64x30x4x768xf32, #tpu.memory_space<hbm>> -> memref<1x30x4x128xf32, #tpu.memory_space<hbm>>
      %dma_start3A_163 = tpu.memref_squeeze %dma_start3A_162 : memref<1x30x4x128xf32, #tpu.memory_space<hbm>> -> memref<30x4x128xf32, #tpu.memory_space<hbm>>
      %dma_start3A_164 = arith.constant 0 : i32
      %dma_start3A_165 = arith.constant 0 : i32
      %dma_start3A_166 = tpu.memref_slice %arg5[%add3A_7, %dma_start3A_164, %dma_start3A_165, %mul3A_84] : memref<64x30x4x768xf32, #tpu.memory_space<hbm>> -> memref<1x30x4x128xf32, #tpu.memory_space<hbm>>
      %dma_start3A_167 = tpu.memref_squeeze %dma_start3A_166 : memref<1x30x4x128xf32, #tpu.memory_space<hbm>> -> memref<30x4x128xf32, #tpu.memory_space<hbm>>
      tpu.enqueue_dma source(%arg11 : memref<30x4x128xf32, #tpu.memory_space<vmem>>) target(%dma_start3A_167 : memref<30x4x128xf32, #tpu.memory_space<hbm>>) target_semaphore(%arg18 : memref<!tpu.dma_semaphore, #tpu.memory_space<semaphore_mem>>)
    }
    %scan3A_58 = arith.constant 6 : i32
    %dma_wait3A = arith.constant 0 : i32
    %dma_wait3A_59 = arith.constant 0 : i32
    %dma_wait3A_60 = arith.constant 640 : i32
    %dma_wait3A_61 = tpu.memref_slice %arg5[%mul3A_3, %dma_wait3A, %dma_wait3A_59, %dma_wait3A_60] : memref<64x30x4x768xf32, #tpu.memory_space<hbm>> -> memref<1x30x4x128xf32, #tpu.memory_space<hbm>>
    %dma_wait3A_62 = tpu.memref_squeeze %dma_wait3A_61 : memref<1x30x4x128xf32, #tpu.memory_space<hbm>> -> memref<30x4x128xf32, #tpu.memory_space<hbm>>
    %dma_wait3A_63 = arith.constant 0 : i32
    %dma_wait3A_64 = arith.constant 0 : i32
    %dma_wait3A_65 = arith.constant 640 : i32
    %dma_wait3A_66 = tpu.memref_slice %arg5[%mul3A_3, %dma_wait3A_63, %dma_wait3A_64, %dma_wait3A_65] : memref<64x30x4x768xf32, #tpu.memory_space<hbm>> -> memref<1x30x4x128xf32, #tpu.memory_space<hbm>>
    %dma_wait3A_67 = tpu.memref_squeeze %dma_wait3A_66 : memref<1x30x4x128xf32, #tpu.memory_space<hbm>> -> memref<30x4x128xf32, #tpu.memory_space<hbm>>
    tpu.wait_dma2 semaphore(%arg17 : memref<!tpu.dma_semaphore, #tpu.memory_space<semaphore_mem>>) src(%arg10 : memref<30x4x128xf32, #tpu.memory_space<vmem>>) dst(%dma_wait3A_67 : memref<30x4x128xf32, #tpu.memory_space<hbm>>)
    %dma_wait3A_68 = arith.constant 0 : i32
    %dma_wait3A_69 = arith.constant 0 : i32
    %dma_wait3A_70 = arith.constant 640 : i32
    %dma_wait3A_71 = tpu.memref_slice %arg5[%add3A_7, %dma_wait3A_68, %dma_wait3A_69, %dma_wait3A_70] : memref<64x30x4x768xf32, #tpu.memory_space<hbm>> -> memref<1x30x4x128xf32, #tpu.memory_space<hbm>>
    %dma_wait3A_72 = tpu.memref_squeeze %dma_wait3A_71 : memref<1x30x4x128xf32, #tpu.memory_space<hbm>> -> memref<30x4x128xf32, #tpu.memory_space<hbm>>
    %dma_wait3A_73 = arith.constant 0 : i32
    %dma_wait3A_74 = arith.constant 0 : i32
    %dma_wait3A_75 = arith.constant 640 : i32
    %dma_wait3A_76 = tpu.memref_slice %arg5[%add3A_7, %dma_wait3A_73, %dma_wait3A_74, %dma_wait3A_75] : memref<64x30x4x768xf32, #tpu.memory_space<hbm>> -> memref<1x30x4x128xf32, #tpu.memory_space<hbm>>
    %dma_wait3A_77 = tpu.memref_squeeze %dma_wait3A_76 : memref<1x30x4x128xf32, #tpu.memory_space<hbm>> -> memref<30x4x128xf32, #tpu.memory_space<hbm>>
    tpu.wait_dma2 semaphore(%arg18 : memref<!tpu.dma_semaphore, #tpu.memory_space<semaphore_mem>>) src(%arg11 : memref<30x4x128xf32, #tpu.memory_space<vmem>>) dst(%dma_wait3A_77 : memref<30x4x128xf32, #tpu.memory_space<hbm>>)
    return
  }
}

</mosaic_0001>

<sc_bundles>
// kernel: _unpool.3.cloned.1.call-start
scs
__scs_entry_jumppad:
0x0: {  	(pc) =	sbr.rel $0x88, $3  }
0x1: {  	(tag) =	ssettag $0x0;
	lr =	simm.s32 $0x1  }
0x2: {  	[smem:$0x3F9E] =	sst lr;
	_ =	strace $0xD0000000  }
0x3: {  	_ = 	snop  }
0x4: {  	_ = 	snop  }
0x5: {  	_ = 	snop  }
0x6: {  	_ = 	snop  }
0x7: {  	_ = 	snop  }
__scs_overlays_trampoline_lowered:
0x8: {  	[smem:$0x3FAD] =	sst s0  }
0x9: {  	[smem:$0x3FAE] =	sst s1  }
0xa: {  	[smem:$0x3FAF] =	sst s2  }
0xb: {  	[smem:$0x3FB0] =	sst s3  }
0xc: {  	[smem:$0x3FB1] =	sst s4  }
0xd: {  	[smem:$0x3FB2] =	sst s5  }
0xe: {  	[smem:$0x3FB3] =	sst s6  }
0xf: {  	[smem:$0x3FB4] =	sst s7  }
0x10: {  	[smem:$0x3FB5] =	sst s8  }
0x11: {  	[smem:$0x3FB6] =	sst s9;
	s0 =	simm.s32 @!p0 $0x0  }
0x12: {  	s1 =	sld [smem:$0x3F9C];
	s0 =	simm.s32 @p0 $0x1  }
0x13: {  	[smem:$0x3FB7] =	sst s0;
	s0 =	simm.s32 @!p1 $0x0  }
0x14: {  	s2 =	sld [smem:$0x3F9B];
	s0 =	simm.s32 @p1 $0x1  }
0x15: {  	[smem:$0x3FB8] =	sst s0;
	s0 =	simm.s32 @!p2 $0x0  }
0x16: {  	s3 =	sld [smem:$0x3FDB];
	s0 =	simm.s32 @p2 $0x1  }
0x17: {  	s4 =	simm.s32 $0x1BF5;
	[smem:$0x3FBA] =	sst s0  }
0x18: {  	s0 =	sld [smem:$0x3F9D];
	_ =	swait.ge [sflag:s4], $0x0  }
0x19: {  	s7 =	sld [smem:$0x3F9E]  }
0x1a: {  	s8 =	sadd.s32 $0xFFFFE003, lr  }
0x1b: {  	s9 =	sadd.s32 $0xFFFFFEF7, lr;
	s5 =	simm.s32 $0xFFFFFFFF;
	p2 =	slt.u32 s8, $0xFFFFF086  }
0x1c: {  	p1 =	slt.u32 s9, $0xF7A;
	s5 =	simm.s32 @!p2 $0x0  }
0x1d: {  	s5 =	simm.s32 @p1 $0x1;
	p0 =	seq.s32 s7, s2  }
0x1e: {  	s7 =	smul.u32 @!p0 $0xF7A, s2;
	p2 =	seq.s32 @!p0 s5, $0x0  }
0x1f: {  	s9 =	smul.u32 $0xF7A, s1;
	s8 =	simm.s32 @!p0 $0x1BF5;
	p2 =	por !p2, p0  }
0x20: {  	[sflag:s8] =	ssyncset.s32 @!p0 $0xFFFFF086;
	s6 =	sadd.s32 @!p0 s3, s7;
	s7 =	simm.s32 @!p0 $0x108  }
0x21: {  	s3 =	sadd.s32 s3, s9;
	s6 =	sadd.s32 @!p0 $0x88, s6;
	s7 =	simm.s32 @p2 $0x1082  }
0x22: {  	[simem:s7], [sflag:s8] =	dma.local @!p0 [hbm:s6], $0xF7A  }
0x23: {  	s9 =	sor.u32 $0xD0000000, s2;
	s6 =	simm.s32 $0x108;
	_ =	swait.ge @!p0 [sflag:s8], $0x0  }
0x24: {  	s3 =	sadd.s32 $0x88, s3;
	s6 =	simm.s32 @!p1 $0x1082;
	[sflag:s4] =	ssyncset.s32 $0xFFFFF086  }
0x25: {  	[simem:s6], [sflag:s4] =	dma.local [hbm:s3], $0xF7A  }
0x26: {  	[smem:$0x3F9E] =	sst s1;
	(tag) =	ssettag s2;
	_ =	strace s9  }
0x27: {  	s1 =	sld [smem:$0x3FAE]  }
0x28: {  	s2 =	sld [smem:$0x3FAF]  }
0x29: {  	s4 =	sld [smem:$0x3FB1]  }
0x2a: {  	p0 =	seq.s32 s5, $0x0;
	s5 =	sld [smem:$0x3FB2]  }
0x2b: {  	s6 =	sld [smem:$0x3FB3]  }
0x2c: {  	s7 =	sld [smem:$0x3FB4]  }
0x2d: {  	s3 =	simm.s32 $0x108;
	s8 =	sld [smem:$0x3FB5]  }
0x2e: {  	s3 =	simm.s32 @!p0 $0x1082;
	s9 =	sld [smem:$0x3FB6]  }
0x2f: {  	lr =	sadd.s32 s0, s3;
	s0 =	sld [smem:$0x3FAD]  }
0x30: {  	s3 =	sld [smem:$0x3FB0]  }
0x31: {  	[smem:$0x3FB9] =	sst s10  }
0x32: {  	s10 =	sld [smem:$0x3FB7];
	_ =	sdelay $0x3  }
0x33: {  	p0 =	seq.s32 s10, $0x1;
	s10 =	sld [smem:$0x3FB9];
	_ =	sdelay $0x3  }
0x34: {  	[smem:$0x3FB9] =	sst s10  }
0x35: {  	s10 =	sld [smem:$0x3FB8];
	_ =	sdelay $0x3  }
0x36: {  	p1 =	seq.s32 s10, $0x1;
	s10 =	sld [smem:$0x3FB9];
	_ =	sdelay $0x3  }
0x37: {  	[smem:$0x3FB9] =	sst s10  }
0x38: {  	s10 =	sld [smem:$0x3FBA]  }
0x39: {  	_ = 	snop;
	(pc) =	sbr.ind lr, $3  }
0x3a: {  	_ = 	snop  }
0x3b: {  	_ = 	snop  }
0x3c: {  	p2 =	seq.s32 s10, $0x1;
	s10 =	sld [smem:$0x3FB9]  }
0x3d: {  	_ =	shalt  }
0x3e: {  	_ =	shalt  }
0x3f: {  	_ =	shalt  }
0x40: {  	_ =	shalt  }
0x41: {  	_ =	shalt  }
0x42: {  	_ =	shalt  }
0x43: {  	_ =	shalt  }
0x44: {  	_ =	shalt  }
0x45: {  	_ =	shalt  }
0x46: {  	_ =	shalt  }
0x47: {  	_ =	shalt  }
0x48: {  	_ =	shalt  }
0x49: {  	_ =	shalt  }
0x4a: {  	_ =	shalt  }
0x4b: {  	_ =	shalt  }
0x4c: {  	_ =	shalt  }
0x4d: {  	_ =	shalt  }
0x4e: {  	_ =	shalt  }
0x4f: {  	_ =	shalt  }
0x50: {  	_ =	shalt  }
0x51: {  	_ =	shalt  }
0x52: {  	_ =	shalt  }
0x53: {  	_ =	shalt  }
0x54: {  	_ =	shalt  }
0x55: {  	_ =	shalt  }
0x56: {  	_ =	shalt  }
0x57: {  	_ =	shalt  }
0x58: {  	_ =	shalt  }
0x59: {  	_ =	shalt  }
0x5a: {  	_ =	shalt  }
0x5b: {  	_ =	shalt  }
0x5c: {  	_ =	shalt  }
0x5d: {  	_ =	shalt  }
0x5e: {  	_ =	shalt  }
0x5f: {  	_ =	shalt  }
0x60: {  	_ =	shalt  }
0x61: {  	_ =	shalt  }
0x62: {  	_ =	shalt  }
0x63: {  	_ =	shalt  }
0x64: {  	_ =	shalt  }
0x65: {  	_ =	shalt  }
0x66: {  	_ =	shalt  }
0x67: {  	_ =	shalt  }
0x68: {  	_ =	shalt  }
0x69: {  	_ =	shalt  }
0x6a: {  	_ =	shalt  }
0x6b: {  	_ =	shalt  }
0x6c: {  	_ =	shalt  }
0x6d: {  	_ =	shalt  }
0x6e: {  	_ =	shalt  }
0x6f: {  	_ =	shalt  }
0x70: {  	_ =	shalt  }
0x71: {  	_ =	shalt  }
0x72: {  	_ =	shalt  }
0x73: {  	_ =	shalt  }
0x74: {  	_ =	shalt  }
0x75: {  	_ =	shalt  }
0x76: {  	_ =	shalt  }
0x77: {  	_ =	shalt  }
0x78: {  	_ =	shalt  }
0x79: {  	_ =	shalt  }
0x7a: {  	_ =	shalt  }
0x7b: {  	_ =	shalt  }
0x7c: {  	_ =	shalt  }
0x7d: {  	_ =	shalt  }
0x7e: {  	_ =	shalt  }
0x7f: {  	_ =	shalt  }
0x80: {  	_ =	shalt  }
0x81: {  	_ =	shalt  }
0x82: {  	_ =	shalt  }
0x83: {  	_ =	shalt  }
0x84: {  	_ =	shalt  }
0x85: {  	_ =	shalt  }
0x86: {  	_ =	shalt  }
0x87: {  	_ =	shalt  }
.Lfunc_end0:
.L_simem_size_0:
called_computation_lowered:
.L_overlay_start_0:
0x88: {  	s2 =	sld [smem:$0x3FD9]  }
0x89: {  	s3 =	sld [smem:$0x3FFE];
	_ =	sdelay $0x1  }
0x8a: {  	s1 =	srdreg.scid  }
0x8b: {  	s0 =	sand.u32 $0x1, s1  }
0x8c: {  	s18 =	sshll.u32 s0, $0xA;
	s2 =	sadd.s32 s3, s2  }
0x8d: {  	s2 =	sadd.s32 s2, s18  }
0x8e: {  	[smem:$0x3FC5] =	sst s2  }
0x8f: {  	_ = 	snop  }
0x90: {  	s2 =	sld [smem:$0x3FC9]  }
0x91: {  	s19 =	sld [smem:$0x3FC8]  }
0x92: {  	s4 =	sld [smem:$0x3FC7]  }
0x93: {  	s5 =	sld [smem:$0x3FD0];
	(tm) =	ssettm $0x1  }
0x94: {  	s6 =	sld [smem:$0x3FFB];
	_ =	sdelay $0x3  }
0x95: {  	_ =	strace s6  }
0x96: {  	s6 =	sld [smem:$0x3FFC];
	_ =	sdelay $0x3  }
0x97: {  	_ =	strace s6  }
0x98: {  	s6 =	sld [smem:$0x3FFD];
	_ =	sdelay $0x3  }
0x99: {  	_ =	strace s6  }
0x9a: {  	_ =	strace $0x8FFFFFFF  }
0x9b: {  	s20 =	sld [smem:$0x3FDB];
	_ =	sdelay $0x1  }
0x9c: {  	s7 =	simm.s32 $_scs_section_size  }
0x9d: {  	s8 =	simm.s32 $_size__tile_overlayer_lowered;
	s9 =	simm.s32 $_tile_overlayer_lowered  }
0x9e: {  	s23 =	simm.s32 $0x1BFF;
	s22 =	sshll.u32 s9, $0x1;
	s6 =	sadd.s32 s7, s20  }
0x9f: {  	s10 =	simm.s32 $0x0;
	s21 =	sshll.u32 s8, $0x1;
	s8 =	sadd.s32 s22, s6  }
0xa0: {  	[timem:s10], [sflag:s23] =	dma.local [hbm:s8], s21  }
0xa1: {  	_ =	swait.ge [sflag:s23], s21  }
0xa2: {  	s7 =	ssub.s32 $0x0, s21;
	[sflag:s23] =	ssyncset.done $0x0  }
0xa3: {  	[sflag:s23] =	ssyncadd.s32 s7;
	_ =	sdelay $0x1  }
0xa4: {  	s24 =	simm.s32 $0x1B8B  }
0xa5: {  	_ =	swait.ge [sflag:s24], $0x1  }
0xa6: {  	[sflag:s24] =	ssyncset.done $0x0  }
0xa7: {  	s25 =	simm.s32 $0x1B8E;
	[sflag:s24] =	ssyncadd.s32 $0xFFFFFFFF  }
0xa8: {  	s26 =	simm.s32 $execute0_lowered;
	[smem:$0x3FD2] =	sst s25  }
0xa9: {  	s7 =	sshll.u32 s26, $0x1;
	_ =	strace $0x80000046;
	[dreg:$0x1] =	wrdreg $0xFFFFFFFF  }
0xaa: {  	s28 =	simm.s32 $_size_execute0_lowered;
	s6 =	sadd.s32 s6, s7;
	[dreg:$0x0] =	wrdreg $0x0  }
0xab: {  	s7 =	sshll.u32 s28, $0x1;
	[dreg:$0x2] =	wrdreg s6  }
0xac: {  	[dreg:$0x3] =	wrdreg s7  }
0xad: {  	[dreg:$0x4] =	wrdreg $0xC0  }
0xae: {  	_ =	task [dreg:s10], $0x5FFFF  }
0xaf: {  	[dreg:$0x1] =	wrdreg $0xFFFFFFFF  }
0xb0: {  	[dreg:$0x0] =	wrdreg $0x60  }
0xb1: {  	[dreg:$0x2] =	wrdreg s2  }
0xb2: {  	[dreg:$0x3] =	wrdreg s19  }
0xb3: {  	[dreg:$0x4] =	wrdreg s4  }
0xb4: {  	[dreg:$0x5] =	wrdreg s5  }
0xb5: {  	[dreg:$0x6] =	wrdreg $0x9  }
0xb6: {  	_ =	task.clear_ibuf [dreg:s10], $0x7FFFF;
	_ =	strace $0x90000046  }
0xb7: {  	s29 =	simm.s32 $0x9;
	_ =	strace $0x80000048  }
0xb8: {  	_ =	swait.ge [sflag:s29], $0x1  }
0xb9: {  	[sflag:s29] =	ssyncadd.s32 $0xFFFFFFFF  }
0xba: {  	_ =	strace $0x90000048  }
0xbb: {  	_ =	sfence  }
0xbc: {  	s30 =	sld [smem:$0x0];
	_ =	sdelay $0x2  }
0xbd: {  	s31 =	sshll.u32 s1, $0xD;
	s1 =	sshrl.u32 s1, $0x2  }
0xbe: {  	s3 =	sand.u32 $0x4000, s31;
	s1 =	sadd.s32 s1, s30  }
0xbf: {  	s0 =	sor.u32 s3, s0;
	s1 =	sshll.u32 s1, $0x11  }
0xc0: {  	s0 =	sor.u32 s1, s0  }
0xc1: {  	s0 =	sadd.s32 $0x8F2B, s0  }
0xc2: {  	[sflag:s0] =	ssyncadd.remote.s32 $0x1  }
0xc3: {  	_ =	sfence.sel $0xFFFF  }
0xc4: {  	[dreg:$0x0] =	wrdreg $0xFFFFFFFF;
	(pc) =	sbr.abs _section_cstart, $3  }
0xc5: {  	[dreg:$0x1] =	wrdreg $0xFFFFFFFF  }
0xc6: {  	_ =	task.clear_ibuf [dreg:s10], $0x2FFFF;
	_ =	strace $0x9FFFFFFF  }
0xc7: {  	(tm) =	ssettm $0x7FFFFFFF  }
tec
execute0_lowered:
.L_overlay_start_1:
0x0: {  	(tag) =	ssettag $0x1  }
0x1: {  	s1 =	rddreg [dreg:$0x0]  }
0x2: {  	s2 =	rddreg [dreg:$0x1]  }
0x3: {  	s0 =	srdreg.scid;
	s3 =	stileid.u32  }
0x4: {  	s5 =	rddreg [dreg:$0x3];
	s6 =	simm.s32 $0x0;
	s16 =	simm.s32 $0x9800  }
0x5: {  	s17 =	simm.s32 $0x7;
	s18 =	simm.s32 $0x200;
	s19 =	simm.s32 $0xC00  }
0x6: {  	s23 =	simm.s32 $0x1;
	s24 =	simm.s32 $0x3;
	s25 =	simm.s32 $0x2000  }
0x7: {  	s28 =	simm.s32 $0x4;
	s29 =	simm.s32 $0x5C00;
	s0 =	sand.u32 $0x1, s0  }
0x8: {  	s30 =	simm.s32 $0x5;
	s3 =	sshll.u32 s3, $0x2;
	s4 =	sshll.u32 s0, $0x1  }
0x9: {  	s31 =	simm.s32 $0x6;
	[smem:$0x7FF] =	sst s6;
	s3 =	sor.u32 s4, s3  }
0xa: {  	s0 =	ssub.s32 $0x2, s0;
	_ =	strace $0x80000047;
	s11 =	smul.u32 $0x3000, s3  }
0xb: {  	s7 =	sshrl.u32 s0, $0x1;
	s4 =	sor.u32 $0x1, s3;
	s12 =	smul.u32 $0x16800, s3  }
0xc: {  	s0 =	ssub.s32 s0, s7;
	s3 =	simm.s32 $0x0;
	s13 =	smul.u32 $0x3000, s4  }
0xd: {  	s14 =	smul.u32 $0x16800, s4;
	s15 =	smax.u32 s0, $0x1;
	s8 =	sshrl.u32 s11, $0x3  }
0xe: {  	s11 =	sor.u32 $0x200, s11;
	s26 =	sadd.s32 s1, s8;
	s10 =	sshrl.u32 s13, $0x3  }
0xf: {  	s8 =	sadd.s32 s2, s8;
	s13 =	sor.u32 $0x200, s13;
	[dreg:$0x5] =	wrdreg s26  }
0x10: {  	v0 =	vimm.f32 $0.0e+00;
	v1 =	vlaneseq.u32;
	s9 =	sadd.s32 s1, s10;
	s10 =	sadd.s32 s2, s10;
	s26 =	simm.s32 $0x2  }
.LBB2_1:
0x11: {  	s0 =	rddreg [dreg:$0x2];
	s4 =	simm.s32 $0x0  }
0x12: {  	[tilespmem:s16], [sflag:$0x7] =	stream.linear.gather [hbm4b:s0+s4], $0x80, $0x38;
	[tilespmem:$0x9880] =	vst v63  }
0x13: {  	_ =	swait.ge [sflag:s17], $0x80  }
0x14: {  	[sflag:s17] =	ssyncset.done $0x0  }
0x15: {  	s7 =	rddreg [dreg:$0x5];
	[sflag:s17] =	ssyncadd.s32 $0xFFFFFF80  }
0x16: {  	[tilespmem:s4], [sflag:$0x1] =	stream.strided.gather [hbm4b:s7+s18], $0x800, s19, s18, $0x38;
	[tilespmem:$0x9880] =	vst v63  }
0x17: {  	s20 =	simm.s32 $0x1000  }
0x18: {  	[tilespmem:s20], [sflag:$0x3] =	stream.strided.gather [hbm4b:s8+s18], $0x800, s19, s18, $0x38;
	[tilespmem:$0x9880] =	vst v63  }
0x19: {  	s21 =	simm.s32 $0x800  }
0x1a: {  	[tilespmem:s21], [sflag:$0x2] =	stream.strided.gather [hbm4b:s9+s18], $0x800, s19, s18, $0x38;
	[tilespmem:$0x9880] =	vst v63  }
0x1b: {  	s22 =	simm.s32 $0x1800;
	s0 =	simm.s32 $0x0  }
0x1c: {  	[tilespmem:s22], [sflag:$0x4] =	stream.strided.gather [hbm4b:s10+s18], $0x800, s19, s18, $0x38;
	[tilespmem:$0x9880] =	vst v63  }
.LBB2_2:
0x1d: {  	p0 =	seq.s32 s0, $0x0  }
0x1e: {  	s4 =	simm.s32 @!p0 $0x5  }
0x1f: {  	_ =	swait.ge @!p0 [sflag:s4], $0x3C00  }
0x20: {  	[sflag:s4] =	ssyncset.done @!p0 $0x0  }
0x21: {  	[sflag:s4] =	ssyncadd.s32 @!p0 $0xFFFFC400;
	s4 =	simm.s32 $0x2200  }
0x22: {  	[tilespmem:s4+$0xFFFFFE00] =	vst v0  }
0x23: {  	[tilespmem:s4+$0x1F0] =	vst v0  }
0x24: {  	[tilespmem:s4+$0x1E0] =	vst v0  }
0x25: {  	[tilespmem:s4+$0x1D0] =	vst v0  }
0x26: {  	[tilespmem:s4+$0x1C0] =	vst v0  }
0x27: {  	[tilespmem:s4+$0x1B0] =	vst v0  }
0x28: {  	[tilespmem:s4+$0x1A0] =	vst v0  }
0x29: {  	[tilespmem:s4+$0x190] =	vst v0  }
0x2a: {  	[tilespmem:s4+$0x180] =	vst v0  }
0x2b: {  	[tilespmem:s4+$0x170] =	vst v0  }
0x2c: {  	[tilespmem:s4+$0x160] =	vst v0  }
0x2d: {  	[tilespmem:s4+$0x150] =	vst v0  }
0x2e: {  	[tilespmem:s4+$0x140] =	vst v0  }
0x2f: {  	[tilespmem:s4+$0x130] =	vst v0  }
0x30: {  	[tilespmem:s4+$0x120] =	vst v0  }
0x31: {  	[tilespmem:s4+$0x110] =	vst v0  }
0x32: {  	[tilespmem:s4+$0x100] =	vst v0  }
0x33: {  	[tilespmem:s4+$0xF0] =	vst v0  }
0x34: {  	[tilespmem:s4+$0xE0] =	vst v0  }
0x35: {  	[tilespmem:s4+$0xD0] =	vst v0  }
0x36: {  	[tilespmem:s4+$0xC0] =	vst v0  }
0x37: {  	[tilespmem:s4+$0xB0] =	vst v0  }
0x38: {  	[tilespmem:s4+$0xA0] =	vst v0  }
0x39: {  	[tilespmem:s4+$0x90] =	vst v0  }
0x3a: {  	[tilespmem:s4+$0x80] =	vst v0  }
0x3b: {  	[tilespmem:s4+$0x70] =	vst v0  }
0x3c: {  	[tilespmem:s4+$0x60] =	vst v0  }
0x3d: {  	[tilespmem:s4+$0x50] =	vst v0  }
0x3e: {  	[tilespmem:s4+$0x40] =	vst v0  }
0x3f: {  	[tilespmem:s4+$0x30] =	vst v0  }
0x40: {  	[tilespmem:s4+$0x20] =	vst v0  }
0x41: {  	[tilespmem:s4+$0x10] =	vst v0  }
0x42: {  	[tilespmem:s4+$0x0] =	vst v0  }
0x43: {  	[tilespmem:s4+$0xFFFFFFF0] =	vst v0  }
0x44: {  	[tilespmem:s4+$0xFFFFFFE0] =	vst v0  }
0x45: {  	[tilespmem:s4+$0xFFFFFFD0] =	vst v0  }
0x46: {  	[tilespmem:s4+$0xFFFFFFC0] =	vst v0  }
0x47: {  	[tilespmem:s4+$0xFFFFFFB0] =	vst v0  }
0x48: {  	[tilespmem:s4+$0xFFFFFFA0] =	vst v0  }
0x49: {  	[tilespmem:s4+$0xFFFFFF90] =	vst v0  }
0x4a: {  	[tilespmem:s4+$0xFFFFFF80] =	vst v0  }
0x4b: {  	[tilespmem:s4+$0xFFFFFF70] =	vst v0  }
0x4c: {  	[tilespmem:s4+$0xFFFFFF60] =	vst v0  }
0x4d: {  	[tilespmem:s4+$0xFFFFFF50] =	vst v0  }
0x4e: {  	[tilespmem:s4+$0xFFFFFF40] =	vst v0  }
0x4f: {  	[tilespmem:s4+$0xFFFFFF30] =	vst v0  }
0x50: {  	[tilespmem:s4+$0xFFFFFF20] =	vst v0  }
0x51: {  	[tilespmem:s4+$0xFFFFFF10] =	vst v0  }
0x52: {  	[tilespmem:s4+$0xFFFFFF00] =	vst v0  }
0x53: {  	[tilespmem:s4+$0xFFFFFEF0] =	vst v0  }
0x54: {  	[tilespmem:s4+$0xFFFFFEE0] =	vst v0  }
0x55: {  	[tilespmem:s4+$0xFFFFFED0] =	vst v0  }
0x56: {  	[tilespmem:s4+$0xFFFFFEC0] =	vst v0  }
0x57: {  	[tilespmem:s4+$0xFFFFFEB0] =	vst v0  }
0x58: {  	[tilespmem:s4+$0xFFFFFEA0] =	vst v0  }
0x59: {  	[tilespmem:s4+$0xFFFFFE90] =	vst v0  }
0x5a: {  	[tilespmem:s4+$0xFFFFFE80] =	vst v0  }
0x5b: {  	[tilespmem:s4+$0xFFFFFE70] =	vst v0  }
0x5c: {  	[tilespmem:s4+$0xFFFFFE60] =	vst v0  }
0x5d: {  	[tilespmem:s4+$0xFFFFFE50] =	vst v0  }
0x5e: {  	[tilespmem:s4+$0xFFFFFE40] =	vst v0  }
0x5f: {  	[tilespmem:s4+$0xFFFFFE30] =	vst v0  }
0x60: {  	s20 =	simm.s32 $0x0;
	[tilespmem:s4+$0xFFFFFE20] =	vst v0  }
.LBB2_3:
0x61: {  	s20 =	sadd.s32 $0x2, s20;
	[tilespmem:s4+$0xFFFFFE10] =	vst v0;
	s4 =	sadd.s32 $0x400, s4  }
0x62: {  	[tilespmem:s4+$0xFFFFFE00] =	vst v0;
	p1 =	slt.u32 s20, $0x1C  }
0x63: {  	[tilespmem:s4+$0x1F0] =	vst v0  }
0x64: {  	[tilespmem:s4+$0x1E0] =	vst v0  }
0x65: {  	[tilespmem:s4+$0x1D0] =	vst v0  }
0x66: {  	[tilespmem:s4+$0x1C0] =	vst v0  }
0x67: {  	[tilespmem:s4+$0x1B0] =	vst v0  }
0x68: {  	[tilespmem:s4+$0x1A0] =	vst v0  }
0x69: {  	[tilespmem:s4+$0x190] =	vst v0  }
0x6a: {  	[tilespmem:s4+$0x180] =	vst v0  }
0x6b: {  	[tilespmem:s4+$0x170] =	vst v0  }
0x6c: {  	[tilespmem:s4+$0x160] =	vst v0  }
0x6d: {  	[tilespmem:s4+$0x150] =	vst v0  }
0x6e: {  	[tilespmem:s4+$0x140] =	vst v0  }
0x6f: {  	[tilespmem:s4+$0x130] =	vst v0  }
0x70: {  	[tilespmem:s4+$0x120] =	vst v0  }
0x71: {  	[tilespmem:s4+$0x110] =	vst v0  }
0x72: {  	[tilespmem:s4+$0x100] =	vst v0  }
0x73: {  	[tilespmem:s4+$0xF0] =	vst v0  }
0x74: {  	[tilespmem:s4+$0xE0] =	vst v0  }
0x75: {  	[tilespmem:s4+$0xD0] =	vst v0  }
0x76: {  	[tilespmem:s4+$0xC0] =	vst v0  }
0x77: {  	[tilespmem:s4+$0xB0] =	vst v0  }
0x78: {  	[tilespmem:s4+$0xA0] =	vst v0  }
0x79: {  	[tilespmem:s4+$0x90] =	vst v0  }
0x7a: {  	[tilespmem:s4+$0x80] =	vst v0  }
0x7b: {  	[tilespmem:s4+$0x70] =	vst v0  }
0x7c: {  	[tilespmem:s4+$0x60] =	vst v0  }
0x7d: {  	[tilespmem:s4+$0x50] =	vst v0  }
0x7e: {  	[tilespmem:s4+$0x40] =	vst v0  }
0x7f: {  	[tilespmem:s4+$0x30] =	vst v0  }
0x80: {  	[tilespmem:s4+$0x20] =	vst v0  }
0x81: {  	[tilespmem:s4+$0x10] =	vst v0  }
0x82: {  	[tilespmem:s4+$0x0] =	vst v0  }
0x83: {  	[tilespmem:s4+$0xFFFFFFF0] =	vst v0  }
0x84: {  	[tilespmem:s4+$0xFFFFFFE0] =	vst v0  }
0x85: {  	[tilespmem:s4+$0xFFFFFFD0] =	vst v0  }
0x86: {  	[tilespmem:s4+$0xFFFFFFC0] =	vst v0  }
0x87: {  	[tilespmem:s4+$0xFFFFFFB0] =	vst v0  }
0x88: {  	[tilespmem:s4+$0xFFFFFFA0] =	vst v0  }
0x89: {  	[tilespmem:s4+$0xFFFFFF90] =	vst v0  }
0x8a: {  	[tilespmem:s4+$0xFFFFFF80] =	vst v0  }
0x8b: {  	[tilespmem:s4+$0xFFFFFF70] =	vst v0  }
0x8c: {  	[tilespmem:s4+$0xFFFFFF60] =	vst v0  }
0x8d: {  	[tilespmem:s4+$0xFFFFFF50] =	vst v0  }
0x8e: {  	[tilespmem:s4+$0xFFFFFF40] =	vst v0  }
0x8f: {  	[tilespmem:s4+$0xFFFFFF30] =	vst v0  }
0x90: {  	[tilespmem:s4+$0xFFFFFF20] =	vst v0  }
0x91: {  	[tilespmem:s4+$0xFFFFFF10] =	vst v0  }
0x92: {  	[tilespmem:s4+$0xFFFFFF00] =	vst v0  }
0x93: {  	[tilespmem:s4+$0xFFFFFEF0] =	vst v0  }
0x94: {  	[tilespmem:s4+$0xFFFFFEE0] =	vst v0  }
0x95: {  	[tilespmem:s4+$0xFFFFFED0] =	vst v0  }
0x96: {  	[tilespmem:s4+$0xFFFFFEC0] =	vst v0  }
0x97: {  	[tilespmem:s4+$0xFFFFFEB0] =	vst v0  }
0x98: {  	[tilespmem:s4+$0xFFFFFEA0] =	vst v0  }
0x99: {  	[tilespmem:s4+$0xFFFFFE90] =	vst v0  }
0x9a: {  	[tilespmem:s4+$0xFFFFFE80] =	vst v0  }
0x9b: {  	[tilespmem:s4+$0xFFFFFE70] =	vst v0  }
.Ltmp0:
0x9c: {  	[tilespmem:s4+$0xFFFFFE60] =	vst v0;
	(pc) =	sbr.rel @p1 .LBB2_3-.Ltmp0, $4  }
0x9d: {  	[tilespmem:s4+$0xFFFFFE50] =	vst v0  }
0x9e: {  	[tilespmem:s4+$0xFFFFFE40] =	vst v0  }
0x9f: {  	[tilespmem:s4+$0xFFFFFE30] =	vst v0  }
0xa0: {  	[tilespmem:s4+$0xFFFFFE20] =	vst v0  }
0xa1: {  	[tilespmem:s4+$0xFFFFFE10] =	vst v0  }
0xa2: {  	_ =	swait.ge [sflag:s23], $0x800  }
0xa3: {  	[sflag:s23] =	ssyncset.done $0x0  }
0xa4: {  	[sflag:s23] =	ssyncadd.s32 $0xFFFFF800  }
0xa5: {  	_ =	swait.ge [sflag:s24], $0x800  }
0xa6: {  	[sflag:s24] =	ssyncset.done $0x0  }
0xa7: {  	s4 =	simm.s32 $0x0;
	p1 =	por $0x1, $0x1;
	[sflag:s24] =	ssyncadd.s32 $0xFFFFF800  }
.LBB2_5:
0xa8: {  	v2 =	vld [tilespmem:s4+$0x1000]  }
0xa9: {  	v4 =	vld [tilespmem:s4+$0x1020]  }
0xaa: {  	v5 =	vld [tilespmem:s4+$0x1030]  }
0xab: {  	v3 =	vld [tilespmem:s4+$0x1010];
	_ =	sdelay $0x4  }
0xac: {  	v6 =	vld.idx.msk [tilespmem:v2+s16+$0x0], $0xffff  }
0xad: {  	v8 =	vld.idx.msk [tilespmem:v4+s16+$0x0], $0xffff  }
0xae: {  	v9 =	vld.idx.msk [tilespmem:v5+s16+$0x0], $0xffff  }
0xaf: {  	v7 =	vld.idx.msk [tilespmem:v3+s16+$0x0], $0xffff;
	_ =	sdelay $0x1  }
0xb0: {  	s21 =	sor.u32 $0x20, s4;
	v2 =	vor.u32 s4, v1;
	v3 =	vshll.u32 v6, $0x7  }
0xb1: {  	v53 =	vld [tilespmem:s4+$0x0];
	s22 =	sor.u32 $0x30, s4;
	v56 =	vor.u32 s21, v1;
	v57 =	vshll.u32 v8, $0x7;
	v10 =	vor.u32 v2, v3  }
0xb2: {  	s20 =	sor.u32 $0x10, s4;
	v58 =	vld [tilespmem:s21+$0x0];
	v59 =	vor.u32 s22, v1;
	v9 =	vshll.u32 v9, $0x7;
	v12 =	vor.u32 v56, v57  }
0xb3: {  	v13 =	vld [tilespmem:s22+$0x0];
	v54 =	vshll.u32 v7, $0x7;
	v3 =	vor.u32 s20, v1;
	v9 =	vor.u32 v59, v9  }
0xb4: {  	v55 =	vld [tilespmem:s20+$0x0];
	v11 =	vor.u32 v3, v54;
	_ =	sdelay $0x1  }
0xb5: {  	[tilespmem:v10+s25+$0x0] =	vst.idx.msk $0xffff, v53  }
0xb6: {  	[tilespmem:v12+s25+$0x0] =	vst.idx.msk $0xffff, v58;
	v6 =	vld [tilespmem:s4+$0x1080]  }
0xb7: {  	[tilespmem:v9+s25+$0x0] =	vst.idx.msk $0xffff, v13;
	v8 =	vld [tilespmem:s4+$0x10A0]  }
0xb8: {  	[tilespmem:v11+s25+$0x0] =	vst.idx.msk $0xffff, v55;
	v9 =	vld [tilespmem:s4+$0x10B0]  }
0xb9: {  	v7 =	vld [tilespmem:s4+$0x1090];
	_ =	sdelay $0x4  }
0xba: {  	v6 =	vld.idx.msk [tilespmem:v6+s16+$0x0], $0xffff  }
0xbb: {  	v8 =	vld.idx.msk [tilespmem:v8+s16+$0x0], $0xffff  }
0xbc: {  	v9 =	vld.idx.msk [tilespmem:v9+s16+$0x0], $0xffff  }
0xbd: {  	v7 =	vld.idx.msk [tilespmem:v7+s16+$0x0], $0xffff;
	_ =	sdelay $0x1  }
0xbe: {  	s6 =	sor.u32 $0x80, s4;
	v6 =	vshll.u32 v6, $0x7  }
0xbf: {  	s21 =	sor.u32 $0xA0, s4;
	v10 =	vld [tilespmem:s6+$0x0];
	v8 =	vshll.u32 v8, $0x7;
	v6 =	vor.u32 v2, v6  }
0xc0: {  	s22 =	sor.u32 $0xB0, s4;
	v12 =	vld [tilespmem:s21+$0x0];
	v9 =	vshll.u32 v9, $0x7;
	v8 =	vor.u32 v56, v8  }
0xc1: {  	s7 =	sor.u32 $0x90, s4;
	v13 =	vld [tilespmem:s22+$0x0];
	v7 =	vshll.u32 v7, $0x7;
	v9 =	vor.u32 v59, v9  }
0xc2: {  	v11 =	vld [tilespmem:s7+$0x0];
	v7 =	vor.u32 v3, v7;
	_ =	sdelay $0x1  }
0xc3: {  	[tilespmem:v6+s25+$0x0] =	vst.idx.msk $0xffff, v10  }
0xc4: {  	[tilespmem:v8+s25+$0x0] =	vst.idx.msk $0xffff, v12;
	v6 =	vld [tilespmem:s4+$0x1100]  }
0xc5: {  	[tilespmem:v9+s25+$0x0] =	vst.idx.msk $0xffff, v13;
	v8 =	vld [tilespmem:s4+$0x1120]  }
0xc6: {  	[tilespmem:v7+s25+$0x0] =	vst.idx.msk $0xffff, v11;
	v9 =	vld [tilespmem:s4+$0x1130]  }
0xc7: {  	v7 =	vld [tilespmem:s4+$0x1110];
	_ =	sdelay $0x4  }
0xc8: {  	v6 =	vld.idx.msk [tilespmem:v6+s16+$0x0], $0xffff  }
0xc9: {  	v8 =	vld.idx.msk [tilespmem:v8+s16+$0x0], $0xffff  }
0xca: {  	v9 =	vld.idx.msk [tilespmem:v9+s16+$0x0], $0xffff  }
0xcb: {  	v7 =	vld.idx.msk [tilespmem:v7+s16+$0x0], $0xffff;
	_ =	sdelay $0x1  }
0xcc: {  	s6 =	sor.u32 $0x100, s4;
	v6 =	vshll.u32 v6, $0x7  }
0xcd: {  	s21 =	sor.u32 $0x120, s4;
	v10 =	vld [tilespmem:s6+$0x0];
	v8 =	vshll.u32 v8, $0x7;
	v6 =	vor.u32 v2, v6  }
0xce: {  	s22 =	sor.u32 $0x130, s4;
	v12 =	vld [tilespmem:s21+$0x0];
	v9 =	vshll.u32 v9, $0x7;
	v8 =	vor.u32 v56, v8  }
0xcf: {  	s7 =	sor.u32 $0x110, s4;
	v13 =	vld [tilespmem:s22+$0x0];
	v7 =	vshll.u32 v7, $0x7;
	v9 =	vor.u32 v59, v9  }
0xd0: {  	v11 =	vld [tilespmem:s7+$0x0];
	v7 =	vor.u32 v3, v7;
	_ =	sdelay $0x1  }
0xd1: {  	[tilespmem:v6+s25+$0x0] =	vst.idx.msk $0xffff, v10  }
0xd2: {  	[tilespmem:v8+s25+$0x0] =	vst.idx.msk $0xffff, v12;
	v6 =	vld [tilespmem:s4+$0x1180]  }
0xd3: {  	[tilespmem:v9+s25+$0x0] =	vst.idx.msk $0xffff, v13;
	v8 =	vld [tilespmem:s4+$0x11A0]  }
0xd4: {  	[tilespmem:v7+s25+$0x0] =	vst.idx.msk $0xffff, v11;
	v9 =	vld [tilespmem:s4+$0x11B0]  }
0xd5: {  	v7 =	vld [tilespmem:s4+$0x1190];
	_ =	sdelay $0x4  }
0xd6: {  	v6 =	vld.idx.msk [tilespmem:v6+s16+$0x0], $0xffff  }
0xd7: {  	v8 =	vld.idx.msk [tilespmem:v8+s16+$0x0], $0xffff  }
0xd8: {  	v9 =	vld.idx.msk [tilespmem:v9+s16+$0x0], $0xffff  }
0xd9: {  	v7 =	vld.idx.msk [tilespmem:v7+s16+$0x0], $0xffff;
	_ =	sdelay $0x1  }
0xda: {  	s6 =	sor.u32 $0x180, s4;
	v6 =	vshll.u32 v6, $0x7  }
0xdb: {  	s21 =	sor.u32 $0x1A0, s4;
	v10 =	vld [tilespmem:s6+$0x0];
	v8 =	vshll.u32 v8, $0x7;
	v6 =	vor.u32 v2, v6  }
0xdc: {  	s22 =	sor.u32 $0x1B0, s4;
	v12 =	vld [tilespmem:s21+$0x0];
	v9 =	vshll.u32 v9, $0x7;
	v8 =	vor.u32 v56, v8  }
0xdd: {  	s7 =	sor.u32 $0x190, s4;
	v13 =	vld [tilespmem:s22+$0x0];
	v7 =	vshll.u32 v7, $0x7;
	v9 =	vor.u32 v59, v9  }
0xde: {  	v11 =	vld [tilespmem:s7+$0x0];
	v7 =	vor.u32 v3, v7;
	_ =	sdelay $0x1  }
0xdf: {  	[tilespmem:v6+s25+$0x0] =	vst.idx.msk $0xffff, v10  }
0xe0: {  	[tilespmem:v8+s25+$0x0] =	vst.idx.msk $0xffff, v12;
	v6 =	vld [tilespmem:s4+$0x1200]  }
0xe1: {  	[tilespmem:v9+s25+$0x0] =	vst.idx.msk $0xffff, v13;
	v8 =	vld [tilespmem:s4+$0x1220]  }
0xe2: {  	[tilespmem:v7+s25+$0x0] =	vst.idx.msk $0xffff, v11;
	v9 =	vld [tilespmem:s4+$0x1230]  }
0xe3: {  	v7 =	vld [tilespmem:s4+$0x1210];
	_ =	sdelay $0x4  }
0xe4: {  	v6 =	vld.idx.msk [tilespmem:v6+s16+$0x0], $0xffff  }
0xe5: {  	v8 =	vld.idx.msk [tilespmem:v8+s16+$0x0], $0xffff  }
0xe6: {  	v9 =	vld.idx.msk [tilespmem:v9+s16+$0x0], $0xffff  }
0xe7: {  	v7 =	vld.idx.msk [tilespmem:v7+s16+$0x0], $0xffff;
	_ =	sdelay $0x1  }
0xe8: {  	s6 =	sor.u32 $0x200, s4;
	v6 =	vshll.u32 v6, $0x7  }
0xe9: {  	s21 =	sor.u32 $0x220, s4;
	v10 =	vld [tilespmem:s6+$0x0];
	v8 =	vshll.u32 v8, $0x7;
	v6 =	vor.u32 v2, v6  }
0xea: {  	s22 =	sor.u32 $0x230, s4;
	v12 =	vld [tilespmem:s21+$0x0];
	v9 =	vshll.u32 v9, $0x7;
	v8 =	vor.u32 v56, v8  }
0xeb: {  	s7 =	sor.u32 $0x210, s4;
	v13 =	vld [tilespmem:s22+$0x0];
	v7 =	vshll.u32 v7, $0x7;
	v9 =	vor.u32 v59, v9  }
0xec: {  	v11 =	vld [tilespmem:s7+$0x0];
	v7 =	vor.u32 v3, v7;
	_ =	sdelay $0x1  }
0xed: {  	[tilespmem:v6+s25+$0x0] =	vst.idx.msk $0xffff, v10  }
0xee: {  	[tilespmem:v8+s25+$0x0] =	vst.idx.msk $0xffff, v12;
	v6 =	vld [tilespmem:s4+$0x1280]  }
0xef: {  	[tilespmem:v9+s25+$0x0] =	vst.idx.msk $0xffff, v13;
	v8 =	vld [tilespmem:s4+$0x12A0]  }
0xf0: {  	[tilespmem:v7+s25+$0x0] =	vst.idx.msk $0xffff, v11;
	v9 =	vld [tilespmem:s4+$0x12B0]  }
0xf1: {  	v7 =	vld [tilespmem:s4+$0x1290];
	_ =	sdelay $0x4  }
0xf2: {  	v6 =	vld.idx.msk [tilespmem:v6+s16+$0x0], $0xffff  }
0xf3: {  	v8 =	vld.idx.msk [tilespmem:v8+s16+$0x0], $0xffff  }
0xf4: {  	v9 =	vld.idx.msk [tilespmem:v9+s16+$0x0], $0xffff  }
0xf5: {  	v7 =	vld.idx.msk [tilespmem:v7+s16+$0x0], $0xffff;
	_ =	sdelay $0x1  }
0xf6: {  	s6 =	sor.u32 $0x280, s4;
	v6 =	vshll.u32 v6, $0x7  }
0xf7: {  	s21 =	sor.u32 $0x2A0, s4;
	v10 =	vld [tilespmem:s6+$0x0];
	v8 =	vshll.u32 v8, $0x7;
	v6 =	vor.u32 v2, v6  }
0xf8: {  	s22 =	sor.u32 $0x2B0, s4;
	v12 =	vld [tilespmem:s21+$0x0];
	v9 =	vshll.u32 v9, $0x7;
	v8 =	vor.u32 v56, v8  }
0xf9: {  	s7 =	sor.u32 $0x290, s4;
	v13 =	vld [tilespmem:s22+$0x0];
	v7 =	vshll.u32 v7, $0x7;
	v9 =	vor.u32 v59, v9  }
0xfa: {  	v11 =	vld [tilespmem:s7+$0x0];
	v7 =	vor.u32 v3, v7;
	_ =	sdelay $0x1  }
0xfb: {  	[tilespmem:v6+s25+$0x0] =	vst.idx.msk $0xffff, v10  }
0xfc: {  	[tilespmem:v8+s25+$0x0] =	vst.idx.msk $0xffff, v12;
	v6 =	vld [tilespmem:s4+$0x1300]  }
0xfd: {  	[tilespmem:v9+s25+$0x0] =	vst.idx.msk $0xffff, v13;
	v8 =	vld [tilespmem:s4+$0x1320]  }
0xfe: {  	[tilespmem:v7+s25+$0x0] =	vst.idx.msk $0xffff, v11;
	v9 =	vld [tilespmem:s4+$0x1330]  }
0xff: {  	v7 =	vld [tilespmem:s4+$0x1310];
	_ =	sdelay $0x4  }
0x100: {  	v6 =	vld.idx.msk [tilespmem:v6+s16+$0x0], $0xffff  }
0x101: {  	v8 =	vld.idx.msk [tilespmem:v8+s16+$0x0], $0xffff  }
0x102: {  	v9 =	vld.idx.msk [tilespmem:v9+s16+$0x0], $0xffff  }
0x103: {  	v7 =	vld.idx.msk [tilespmem:v7+s16+$0x0], $0xffff;
	_ =	sdelay $0x1  }
0x104: {  	s6 =	sor.u32 $0x300, s4;
	v6 =	vshll.u32 v6, $0x7  }
0x105: {  	s21 =	sor.u32 $0x320, s4;
	v10 =	vld [tilespmem:s6+$0x0];
	v8 =	vshll.u32 v8, $0x7;
	v6 =	vor.u32 v2, v6  }
0x106: {  	s22 =	sor.u32 $0x330, s4;
	v12 =	vld [tilespmem:s21+$0x0];
	v9 =	vshll.u32 v9, $0x7;
	v8 =	vor.u32 v56, v8  }
0x107: {  	s7 =	sor.u32 $0x310, s4;
	v13 =	vld [tilespmem:s22+$0x0];
	v7 =	vshll.u32 v7, $0x7;
	v9 =	vor.u32 v59, v9  }
0x108: {  	v11 =	vld [tilespmem:s7+$0x0];
	v7 =	vor.u32 v3, v7;
	_ =	sdelay $0x1  }
0x109: {  	[tilespmem:v6+s25+$0x0] =	vst.idx.msk $0xffff, v10  }
0x10a: {  	[tilespmem:v8+s25+$0x0] =	vst.idx.msk $0xffff, v12;
	v6 =	vld [tilespmem:s4+$0x1380]  }
0x10b: {  	[tilespmem:v9+s25+$0x0] =	vst.idx.msk $0xffff, v13;
	v8 =	vld [tilespmem:s4+$0x13A0]  }
0x10c: {  	[tilespmem:v7+s25+$0x0] =	vst.idx.msk $0xffff, v11;
	v9 =	vld [tilespmem:s4+$0x13B0]  }
0x10d: {  	v7 =	vld [tilespmem:s4+$0x1390];
	_ =	sdelay $0x4  }
0x10e: {  	v6 =	vld.idx.msk [tilespmem:v6+s16+$0x0], $0xffff  }
0x10f: {  	v8 =	vld.idx.msk [tilespmem:v8+s16+$0x0], $0xffff  }
0x110: {  	v9 =	vld.idx.msk [tilespmem:v9+s16+$0x0], $0xffff  }
0x111: {  	v7 =	vld.idx.msk [tilespmem:v7+s16+$0x0], $0xffff;
	_ =	sdelay $0x1  }
0x112: {  	s6 =	sor.u32 $0x380, s4;
	v6 =	vshll.u32 v6, $0x7  }
0x113: {  	s21 =	sor.u32 $0x3A0, s4;
	v10 =	vld [tilespmem:s6+$0x0];
	v8 =	vshll.u32 v8, $0x7;
	v6 =	vor.u32 v2, v6  }
0x114: {  	s22 =	sor.u32 $0x3B0, s4;
	v12 =	vld [tilespmem:s21+$0x0];
	v9 =	vshll.u32 v9, $0x7;
	v8 =	vor.u32 v56, v8  }
0x115: {  	s7 =	sor.u32 $0x390, s4;
	v13 =	vld [tilespmem:s22+$0x0];
	v7 =	vshll.u32 v7, $0x7;
	v9 =	vor.u32 v59, v9  }
0x116: {  	v11 =	vld [tilespmem:s7+$0x0];
	v7 =	vor.u32 v3, v7;
	_ =	sdelay $0x1  }
0x117: {  	[tilespmem:v6+s25+$0x0] =	vst.idx.msk $0xffff, v10  }
0x118: {  	[tilespmem:v8+s25+$0x0] =	vst.idx.msk $0xffff, v12;
	v6 =	vld [tilespmem:s4+$0x1400]  }
0x119: {  	[tilespmem:v9+s25+$0x0] =	vst.idx.msk $0xffff, v13;
	v8 =	vld [tilespmem:s4+$0x1420]  }
0x11a: {  	[tilespmem:v7+s25+$0x0] =	vst.idx.msk $0xffff, v11;
	v9 =	vld [tilespmem:s4+$0x1430]  }
0x11b: {  	v7 =	vld [tilespmem:s4+$0x1410];
	_ =	sdelay $0x4  }
0x11c: {  	v6 =	vld.idx.msk [tilespmem:v6+s16+$0x0], $0xffff  }
0x11d: {  	v8 =	vld.idx.msk [tilespmem:v8+s16+$0x0], $0xffff  }
0x11e: {  	v9 =	vld.idx.msk [tilespmem:v9+s16+$0x0], $0xffff  }
0x11f: {  	v7 =	vld.idx.msk [tilespmem:v7+s16+$0x0], $0xffff;
	_ =	sdelay $0x1  }
0x120: {  	s6 =	sor.u32 $0x400, s4;
	v6 =	vshll.u32 v6, $0x7  }
0x121: {  	s21 =	sor.u32 $0x420, s4;
	v10 =	vld [tilespmem:s6+$0x0];
	v8 =	vshll.u32 v8, $0x7;
	v6 =	vor.u32 v2, v6  }
0x122: {  	s22 =	sor.u32 $0x430, s4;
	v12 =	vld [tilespmem:s21+$0x0];
	v9 =	vshll.u32 v9, $0x7;
	v8 =	vor.u32 v56, v8  }
0x123: {  	s7 =	sor.u32 $0x410, s4;
	v13 =	vld [tilespmem:s22+$0x0];
	v7 =	vshll.u32 v7, $0x7;
	v9 =	vor.u32 v59, v9  }
0x124: {  	v11 =	vld [tilespmem:s7+$0x0];
	v7 =	vor.u32 v3, v7;
	_ =	sdelay $0x1  }
0x125: {  	[tilespmem:v6+s25+$0x0] =	vst.idx.msk $0xffff, v10  }
0x126: {  	[tilespmem:v8+s25+$0x0] =	vst.idx.msk $0xffff, v12;
	v6 =	vld [tilespmem:s4+$0x1480]  }
0x127: {  	[tilespmem:v9+s25+$0x0] =	vst.idx.msk $0xffff, v13;
	v8 =	vld [tilespmem:s4+$0x14A0]  }
0x128: {  	[tilespmem:v7+s25+$0x0] =	vst.idx.msk $0xffff, v11;
	v9 =	vld [tilespmem:s4+$0x14B0]  }
0x129: {  	v7 =	vld [tilespmem:s4+$0x1490];
	_ =	sdelay $0x4  }
0x12a: {  	v6 =	vld.idx.msk [tilespmem:v6+s16+$0x0], $0xffff  }
0x12b: {  	v8 =	vld.idx.msk [tilespmem:v8+s16+$0x0], $0xffff  }
0x12c: {  	v9 =	vld.idx.msk [tilespmem:v9+s16+$0x0], $0xffff  }
0x12d: {  	v7 =	vld.idx.msk [tilespmem:v7+s16+$0x0], $0xffff;
	_ =	sdelay $0x1  }
0x12e: {  	s6 =	sor.u32 $0x480, s4;
	v6 =	vshll.u32 v6, $0x7  }
0x12f: {  	s21 =	sor.u32 $0x4A0, s4;
	v10 =	vld [tilespmem:s6+$0x0];
	v8 =	vshll.u32 v8, $0x7;
	v6 =	vor.u32 v2, v6  }
0x130: {  	s22 =	sor.u32 $0x4B0, s4;
	v12 =	vld [tilespmem:s21+$0x0];
	v9 =	vshll.u32 v9, $0x7;
	v8 =	vor.u32 v56, v8  }
0x131: {  	s7 =	sor.u32 $0x490, s4;
	v13 =	vld [tilespmem:s22+$0x0];
	v7 =	vshll.u32 v7, $0x7;
	v9 =	vor.u32 v59, v9  }
0x132: {  	v11 =	vld [tilespmem:s7+$0x0];
	v7 =	vor.u32 v3, v7;
	_ =	sdelay $0x1  }
0x133: {  	[tilespmem:v6+s25+$0x0] =	vst.idx.msk $0xffff, v10  }
0x134: {  	[tilespmem:v8+s25+$0x0] =	vst.idx.msk $0xffff, v12;
	v6 =	vld [tilespmem:s4+$0x1500]  }
0x135: {  	[tilespmem:v9+s25+$0x0] =	vst.idx.msk $0xffff, v13;
	v8 =	vld [tilespmem:s4+$0x1520]  }
0x136: {  	[tilespmem:v7+s25+$0x0] =	vst.idx.msk $0xffff, v11;
	v9 =	vld [tilespmem:s4+$0x1530]  }
0x137: {  	v7 =	vld [tilespmem:s4+$0x1510];
	_ =	sdelay $0x4  }
0x138: {  	v6 =	vld.idx.msk [tilespmem:v6+s16+$0x0], $0xffff  }
0x139: {  	v8 =	vld.idx.msk [tilespmem:v8+s16+$0x0], $0xffff  }
0x13a: {  	v9 =	vld.idx.msk [tilespmem:v9+s16+$0x0], $0xffff  }
0x13b: {  	v7 =	vld.idx.msk [tilespmem:v7+s16+$0x0], $0xffff;
	_ =	sdelay $0x1  }
0x13c: {  	s6 =	sor.u32 $0x500, s4;
	v6 =	vshll.u32 v6, $0x7  }
0x13d: {  	s21 =	sor.u32 $0x520, s4;
	v10 =	vld [tilespmem:s6+$0x0];
	v8 =	vshll.u32 v8, $0x7;
	v6 =	vor.u32 v2, v6  }
0x13e: {  	s22 =	sor.u32 $0x530, s4;
	v12 =	vld [tilespmem:s21+$0x0];
	v9 =	vshll.u32 v9, $0x7;
	v8 =	vor.u32 v56, v8  }
0x13f: {  	s7 =	sor.u32 $0x510, s4;
	v13 =	vld [tilespmem:s22+$0x0];
	v7 =	vshll.u32 v7, $0x7;
	v9 =	vor.u32 v59, v9  }
0x140: {  	v11 =	vld [tilespmem:s7+$0x0];
	v7 =	vor.u32 v3, v7;
	_ =	sdelay $0x1  }
0x141: {  	[tilespmem:v6+s25+$0x0] =	vst.idx.msk $0xffff, v10  }
0x142: {  	[tilespmem:v8+s25+$0x0] =	vst.idx.msk $0xffff, v12;
	v6 =	vld [tilespmem:s4+$0x1580]  }
0x143: {  	[tilespmem:v9+s25+$0x0] =	vst.idx.msk $0xffff, v13;
	v8 =	vld [tilespmem:s4+$0x15A0]  }
0x144: {  	[tilespmem:v7+s25+$0x0] =	vst.idx.msk $0xffff, v11;
	v9 =	vld [tilespmem:s4+$0x15B0]  }
0x145: {  	v7 =	vld [tilespmem:s4+$0x1590];
	_ =	sdelay $0x4  }
0x146: {  	v6 =	vld.idx.msk [tilespmem:v6+s16+$0x0], $0xffff  }
0x147: {  	v8 =	vld.idx.msk [tilespmem:v8+s16+$0x0], $0xffff  }
0x148: {  	v9 =	vld.idx.msk [tilespmem:v9+s16+$0x0], $0xffff  }
0x149: {  	v7 =	vld.idx.msk [tilespmem:v7+s16+$0x0], $0xffff;
	_ =	sdelay $0x1  }
0x14a: {  	s6 =	sor.u32 $0x580, s4;
	v6 =	vshll.u32 v6, $0x7  }
0x14b: {  	s21 =	sor.u32 $0x5A0, s4;
	v10 =	vld [tilespmem:s6+$0x0];
	v8 =	vshll.u32 v8, $0x7;
	v6 =	vor.u32 v2, v6  }
0x14c: {  	s22 =	sor.u32 $0x5B0, s4;
	v12 =	vld [tilespmem:s21+$0x0];
	v9 =	vshll.u32 v9, $0x7;
	v8 =	vor.u32 v56, v8  }
0x14d: {  	s7 =	sor.u32 $0x590, s4;
	v13 =	vld [tilespmem:s22+$0x0];
	v7 =	vshll.u32 v7, $0x7;
	v9 =	vor.u32 v59, v9  }
0x14e: {  	v11 =	vld [tilespmem:s7+$0x0];
	v7 =	vor.u32 v3, v7;
	_ =	sdelay $0x1  }
0x14f: {  	[tilespmem:v6+s25+$0x0] =	vst.idx.msk $0xffff, v10  }
0x150: {  	[tilespmem:v8+s25+$0x0] =	vst.idx.msk $0xffff, v12;
	v6 =	vld [tilespmem:s4+$0x1600]  }
0x151: {  	[tilespmem:v9+s25+$0x0] =	vst.idx.msk $0xffff, v13;
	v8 =	vld [tilespmem:s4+$0x1620]  }
0x152: {  	[tilespmem:v7+s25+$0x0] =	vst.idx.msk $0xffff, v11;
	v9 =	vld [tilespmem:s4+$0x1630]  }
0x153: {  	v7 =	vld [tilespmem:s4+$0x1610];
	_ =	sdelay $0x4  }
0x154: {  	v6 =	vld.idx.msk [tilespmem:v6+s16+$0x0], $0xffff  }
0x155: {  	v8 =	vld.idx.msk [tilespmem:v8+s16+$0x0], $0xffff  }
0x156: {  	v9 =	vld.idx.msk [tilespmem:v9+s16+$0x0], $0xffff  }
0x157: {  	v7 =	vld.idx.msk [tilespmem:v7+s16+$0x0], $0xffff;
	_ =	sdelay $0x1  }
0x158: {  	s6 =	sor.u32 $0x600, s4;
	v6 =	vshll.u32 v6, $0x7  }
0x159: {  	s21 =	sor.u32 $0x620, s4;
	v10 =	vld [tilespmem:s6+$0x0];
	v8 =	vshll.u32 v8, $0x7;
	v6 =	vor.u32 v2, v6  }
0x15a: {  	s22 =	sor.u32 $0x630, s4;
	v12 =	vld [tilespmem:s21+$0x0];
	v9 =	vshll.u32 v9, $0x7;
	v8 =	vor.u32 v56, v8  }
0x15b: {  	s7 =	sor.u32 $0x610, s4;
	v13 =	vld [tilespmem:s22+$0x0];
	v7 =	vshll.u32 v7, $0x7;
	v9 =	vor.u32 v59, v9  }
0x15c: {  	v11 =	vld [tilespmem:s7+$0x0];
	v7 =	vor.u32 v3, v7;
	_ =	sdelay $0x1  }
0x15d: {  	[tilespmem:v6+s25+$0x0] =	vst.idx.msk $0xffff, v10  }
0x15e: {  	[tilespmem:v8+s25+$0x0] =	vst.idx.msk $0xffff, v12;
	v6 =	vld [tilespmem:s4+$0x1680]  }
0x15f: {  	[tilespmem:v9+s25+$0x0] =	vst.idx.msk $0xffff, v13;
	v8 =	vld [tilespmem:s4+$0x16A0]  }
0x160: {  	[tilespmem:v7+s25+$0x0] =	vst.idx.msk $0xffff, v11;
	v9 =	vld [tilespmem:s4+$0x16B0]  }
0x161: {  	v7 =	vld [tilespmem:s4+$0x1690];
	_ =	sdelay $0x4  }
0x162: {  	v6 =	vld.idx.msk [tilespmem:v6+s16+$0x0], $0xffff  }
0x163: {  	v8 =	vld.idx.msk [tilespmem:v8+s16+$0x0], $0xffff  }
0x164: {  	v9 =	vld.idx.msk [tilespmem:v9+s16+$0x0], $0xffff  }
0x165: {  	v7 =	vld.idx.msk [tilespmem:v7+s16+$0x0], $0xffff;
	_ =	sdelay $0x1  }
0x166: {  	s6 =	sor.u32 $0x680, s4;
	v6 =	vshll.u32 v6, $0x7  }
0x167: {  	s21 =	sor.u32 $0x6A0, s4;
	v10 =	vld [tilespmem:s6+$0x0];
	v8 =	vshll.u32 v8, $0x7;
	v6 =	vor.u32 v2, v6  }
0x168: {  	s22 =	sor.u32 $0x6B0, s4;
	v12 =	vld [tilespmem:s21+$0x0];
	v9 =	vshll.u32 v9, $0x7;
	v8 =	vor.u32 v56, v8  }
0x169: {  	s7 =	sor.u32 $0x690, s4;
	v13 =	vld [tilespmem:s22+$0x0];
	v7 =	vshll.u32 v7, $0x7;
	v9 =	vor.u32 v59, v9  }
0x16a: {  	v11 =	vld [tilespmem:s7+$0x0];
	v7 =	vor.u32 v3, v7;
	_ =	sdelay $0x1  }
0x16b: {  	[tilespmem:v6+s25+$0x0] =	vst.idx.msk $0xffff, v10  }
0x16c: {  	[tilespmem:v8+s25+$0x0] =	vst.idx.msk $0xffff, v12;
	v6 =	vld [tilespmem:s4+$0x1700]  }
0x16d: {  	[tilespmem:v9+s25+$0x0] =	vst.idx.msk $0xffff, v13;
	v8 =	vld [tilespmem:s4+$0x1720]  }
0x16e: {  	[tilespmem:v7+s25+$0x0] =	vst.idx.msk $0xffff, v11;
	v9 =	vld [tilespmem:s4+$0x1730]  }
0x16f: {  	v7 =	vld [tilespmem:s4+$0x1710];
	_ =	sdelay $0x4  }
0x170: {  	v6 =	vld.idx.msk [tilespmem:v6+s16+$0x0], $0xffff  }
0x171: {  	v8 =	vld.idx.msk [tilespmem:v8+s16+$0x0], $0xffff  }
0x172: {  	v9 =	vld.idx.msk [tilespmem:v9+s16+$0x0], $0xffff  }
0x173: {  	v7 =	vld.idx.msk [tilespmem:v7+s16+$0x0], $0xffff;
	_ =	sdelay $0x1  }
0x174: {  	s6 =	sor.u32 $0x700, s4;
	v6 =	vshll.u32 v6, $0x7  }
0x175: {  	s21 =	sor.u32 $0x720, s4;
	v10 =	vld [tilespmem:s6+$0x0];
	v8 =	vshll.u32 v8, $0x7;
	v6 =	vor.u32 v2, v6  }
0x176: {  	s22 =	sor.u32 $0x730, s4;
	v12 =	vld [tilespmem:s21+$0x0];
	v9 =	vshll.u32 v9, $0x7;
	v8 =	vor.u32 v56, v8  }
0x177: {  	s7 =	sor.u32 $0x710, s4;
	v13 =	vld [tilespmem:s22+$0x0];
	v7 =	vshll.u32 v7, $0x7;
	v9 =	vor.u32 v59, v9  }
0x178: {  	v11 =	vld [tilespmem:s7+$0x0];
	v7 =	vor.u32 v3, v7;
	_ =	sdelay $0x1  }
0x179: {  	[tilespmem:v6+s25+$0x0] =	vst.idx.msk $0xffff, v10  }
0x17a: {  	[tilespmem:v8+s25+$0x0] =	vst.idx.msk $0xffff, v12;
	v6 =	vld [tilespmem:s4+$0x1780]  }
0x17b: {  	[tilespmem:v9+s25+$0x0] =	vst.idx.msk $0xffff, v13;
	v8 =	vld [tilespmem:s4+$0x17A0]  }
0x17c: {  	[tilespmem:v7+s25+$0x0] =	vst.idx.msk $0xffff, v11;
	v9 =	vld [tilespmem:s4+$0x17B0]  }
0x17d: {  	v7 =	vld [tilespmem:s4+$0x1790];
	_ =	sdelay $0x4  }
0x17e: {  	v6 =	vld.idx.msk [tilespmem:v6+s16+$0x0], $0xffff  }
0x17f: {  	v8 =	vld.idx.msk [tilespmem:v8+s16+$0x0], $0xffff  }
0x180: {  	v9 =	vld.idx.msk [tilespmem:v9+s16+$0x0], $0xffff  }
0x181: {  	v7 =	vld.idx.msk [tilespmem:v7+s16+$0x0], $0xffff;
	_ =	sdelay $0x1  }
0x182: {  	s6 =	sor.u32 $0x780, s4;
	v6 =	vshll.u32 v6, $0x7  }
0x183: {  	s21 =	sor.u32 $0x7A0, s4;
	v60 =	vld [tilespmem:s6+$0x0];
	v8 =	vshll.u32 v8, $0x7;
	v2 =	vor.u32 v2, v6  }
0x184: {  	s22 =	sor.u32 $0x7B0, s4;
	v62 =	vld [tilespmem:s21+$0x0];
	v9 =	vshll.u32 v9, $0x7;
	v4 =	vor.u32 v56, v8  }
0x185: {  	s7 =	sor.u32 $0x790, s4;
	v63 =	vld [tilespmem:s22+$0x0];
	v7 =	vshll.u32 v7, $0x7;
	v5 =	vor.u32 v59, v9  }
0x186: {  	p2 =	por p1, p1;
	v61 =	vld [tilespmem:s7+$0x0];
	v3 =	vor.u32 v3, v7  }
.Ltmp1:
0x187: {  	_ = 	snop;
	(pc) =	sbr.rel @p2 .LBB2_5-.Ltmp1, $4  }
0x188: {  	[tilespmem:v2+s25+$0x0] =	vst.idx.msk $0xffff, v60  }
0x189: {  	[tilespmem:v4+s25+$0x0] =	vst.idx.msk $0xffff, v62  }
0x18a: {  	[tilespmem:v5+s25+$0x0] =	vst.idx.msk $0xffff, v63  }
0x18b: {  	p1 =	por $0x0, $0x0;
	s4 =	simm.s32 $0x40;
	[tilespmem:v3+s25+$0x0] =	vst.idx.msk $0xffff, v61  }
0x18c: {  	p1 =	seq.s32 s0, $0x5  }
0x18d: {  	s4 =	sshll.u32 @!p1 s0, $0x9  }
0x18e: {  	s20 =	sadd.s32 @!p1 s11, s4  }
0x18f: {  	s22 =	simm.s32 @!p1 $0x200;
	s20 =	sshrl.u32 @!p1 s20, $0x3  }
0x190: {  	s6 =	simm.s32 @!p1 $0xC00;
	s7 =	simm.s32 @!p1 $0x0;
	s21 =	sadd.s32 @!p1 s1, s20  }
0x191: {  	[tilespmem:s7], [sflag:$0x1] =	stream.strided.gather @!p1 [hbm4b:s21+s22], $0x800, s6, s22, $0x38;
	[tilespmem:$0x9880] =	vst v63  }
0x192: {  	s4 =	simm.s32 @p1 $0xA00;
	s7 =	sadd.s32 @!p1 s2, s20;
	s20 =	simm.s32 @!p1 $0x1000  }
0x193: {  	[tilespmem:s20], [sflag:$0x3] =	stream.strided.gather @!p1 [hbm4b:s7+s22], $0x800, s6, s22, $0x38;
	[tilespmem:$0x9880] =	vst v63  }
0x194: {  	s22 =	sadd.s32 s12, s4  }
0x195: {  	s6 =	sshrl.u32 s22, $0x3  }
0x196: {  	s6 =	sadd.s32 s5, s6  }
0x197: {  	[hbm4b:s6+s18] =	stream.strided.scatter [tilespmem:s25], [sflag:$0x5], $0x3C00, s19, s18, $0x38;
	[tilespmem:$0x9880] =	vst v63  }
0x198: {  	s6 =	simm.s32 @!p0 $0x6  }
0x199: {  	_ =	swait.ge @!p0 [sflag:s6], $0x3C00  }
0x19a: {  	[sflag:s6] =	ssyncset.done @!p0 $0x0  }
0x19b: {  	s20 =	simm.s32 $0x5E00;
	[sflag:s6] =	ssyncadd.s32 @!p0 $0xFFFFC400  }
0x19c: {  	[tilespmem:s20+$0xFFFFFE00] =	vst v0  }
0x19d: {  	[tilespmem:s20+$0x1F0] =	vst v0  }
0x19e: {  	[tilespmem:s20+$0x1E0] =	vst v0  }
0x19f: {  	[tilespmem:s20+$0x1D0] =	vst v0  }
0x1a0: {  	[tilespmem:s20+$0x1C0] =	vst v0  }
0x1a1: {  	[tilespmem:s20+$0x1B0] =	vst v0  }
0x1a2: {  	[tilespmem:s20+$0x1A0] =	vst v0  }
0x1a3: {  	[tilespmem:s20+$0x190] =	vst v0  }
0x1a4: {  	[tilespmem:s20+$0x180] =	vst v0  }
0x1a5: {  	[tilespmem:s20+$0x170] =	vst v0  }
0x1a6: {  	[tilespmem:s20+$0x160] =	vst v0  }
0x1a7: {  	[tilespmem:s20+$0x150] =	vst v0  }
0x1a8: {  	[tilespmem:s20+$0x140] =	vst v0  }
0x1a9: {  	[tilespmem:s20+$0x130] =	vst v0  }
0x1aa: {  	[tilespmem:s20+$0x120] =	vst v0  }
0x1ab: {  	[tilespmem:s20+$0x110] =	vst v0  }
0x1ac: {  	[tilespmem:s20+$0x100] =	vst v0  }
0x1ad: {  	[tilespmem:s20+$0xF0] =	vst v0  }
0x1ae: {  	[tilespmem:s20+$0xE0] =	vst v0  }
0x1af: {  	[tilespmem:s20+$0xD0] =	vst v0  }
0x1b0: {  	[tilespmem:s20+$0xC0] =	vst v0  }
0x1b1: {  	[tilespmem:s20+$0xB0] =	vst v0  }
0x1b2: {  	[tilespmem:s20+$0xA0] =	vst v0  }
0x1b3: {  	[tilespmem:s20+$0x90] =	vst v0  }
0x1b4: {  	[tilespmem:s20+$0x80] =	vst v0  }
0x1b5: {  	[tilespmem:s20+$0x70] =	vst v0  }
0x1b6: {  	[tilespmem:s20+$0x60] =	vst v0  }
0x1b7: {  	[tilespmem:s20+$0x50] =	vst v0  }
0x1b8: {  	[tilespmem:s20+$0x40] =	vst v0  }
0x1b9: {  	[tilespmem:s20+$0x30] =	vst v0  }
0x1ba: {  	[tilespmem:s20+$0x20] =	vst v0  }
0x1bb: {  	[tilespmem:s20+$0x10] =	vst v0  }
0x1bc: {  	[tilespmem:s20+$0x0] =	vst v0  }
0x1bd: {  	[tilespmem:s20+$0xFFFFFFF0] =	vst v0  }
0x1be: {  	[tilespmem:s20+$0xFFFFFFE0] =	vst v0  }
0x1bf: {  	[tilespmem:s20+$0xFFFFFFD0] =	vst v0  }
0x1c0: {  	[tilespmem:s20+$0xFFFFFFC0] =	vst v0  }
0x1c1: {  	[tilespmem:s20+$0xFFFFFFB0] =	vst v0  }
0x1c2: {  	[tilespmem:s20+$0xFFFFFFA0] =	vst v0  }
0x1c3: {  	[tilespmem:s20+$0xFFFFFF90] =	vst v0  }
0x1c4: {  	[tilespmem:s20+$0xFFFFFF80] =	vst v0  }
0x1c5: {  	[tilespmem:s20+$0xFFFFFF70] =	vst v0  }
0x1c6: {  	[tilespmem:s20+$0xFFFFFF60] =	vst v0  }
0x1c7: {  	[tilespmem:s20+$0xFFFFFF50] =	vst v0  }
0x1c8: {  	[tilespmem:s20+$0xFFFFFF40] =	vst v0  }
0x1c9: {  	[tilespmem:s20+$0xFFFFFF30] =	vst v0  }
0x1ca: {  	[tilespmem:s20+$0xFFFFFF20] =	vst v0  }
0x1cb: {  	[tilespmem:s20+$0xFFFFFF10] =	vst v0  }
0x1cc: {  	[tilespmem:s20+$0xFFFFFF00] =	vst v0  }
0x1cd: {  	[tilespmem:s20+$0xFFFFFEF0] =	vst v0  }
0x1ce: {  	[tilespmem:s20+$0xFFFFFEE0] =	vst v0  }
0x1cf: {  	[tilespmem:s20+$0xFFFFFED0] =	vst v0  }
0x1d0: {  	[tilespmem:s20+$0xFFFFFEC0] =	vst v0  }
0x1d1: {  	[tilespmem:s20+$0xFFFFFEB0] =	vst v0  }
0x1d2: {  	[tilespmem:s20+$0xFFFFFEA0] =	vst v0  }
0x1d3: {  	[tilespmem:s20+$0xFFFFFE90] =	vst v0  }
0x1d4: {  	[tilespmem:s20+$0xFFFFFE80] =	vst v0  }
0x1d5: {  	[tilespmem:s20+$0xFFFFFE70] =	vst v0  }
0x1d6: {  	[tilespmem:s20+$0xFFFFFE60] =	vst v0  }
0x1d7: {  	[tilespmem:s20+$0xFFFFFE50] =	vst v0  }
0x1d8: {  	[tilespmem:s20+$0xFFFFFE40] =	vst v0  }
0x1d9: {  	[tilespmem:s20+$0xFFFFFE30] =	vst v0  }
0x1da: {  	s21 =	simm.s32 $0x0;
	[tilespmem:s20+$0xFFFFFE20] =	vst v0  }
.LBB2_7:
0x1db: {  	s21 =	sadd.s32 $0x2, s21;
	[tilespmem:s20+$0xFFFFFE10] =	vst v0;
	s20 =	sadd.s32 $0x400, s20  }
0x1dc: {  	[tilespmem:s20+$0xFFFFFE00] =	vst v0;
	p0 =	slt.u32 s21, $0x1C  }
0x1dd: {  	[tilespmem:s20+$0x1F0] =	vst v0  }
0x1de: {  	[tilespmem:s20+$0x1E0] =	vst v0  }
0x1df: {  	[tilespmem:s20+$0x1D0] =	vst v0  }
0x1e0: {  	[tilespmem:s20+$0x1C0] =	vst v0  }
0x1e1: {  	[tilespmem:s20+$0x1B0] =	vst v0  }
0x1e2: {  	[tilespmem:s20+$0x1A0] =	vst v0  }
0x1e3: {  	[tilespmem:s20+$0x190] =	vst v0  }
0x1e4: {  	[tilespmem:s20+$0x180] =	vst v0  }
0x1e5: {  	[tilespmem:s20+$0x170] =	vst v0  }
0x1e6: {  	[tilespmem:s20+$0x160] =	vst v0  }
0x1e7: {  	[tilespmem:s20+$0x150] =	vst v0  }
0x1e8: {  	[tilespmem:s20+$0x140] =	vst v0  }
0x1e9: {  	[tilespmem:s20+$0x130] =	vst v0  }
0x1ea: {  	[tilespmem:s20+$0x120] =	vst v0  }
0x1eb: {  	[tilespmem:s20+$0x110] =	vst v0  }
0x1ec: {  	[tilespmem:s20+$0x100] =	vst v0  }
0x1ed: {  	[tilespmem:s20+$0xF0] =	vst v0  }
0x1ee: {  	[tilespmem:s20+$0xE0] =	vst v0  }
0x1ef: {  	[tilespmem:s20+$0xD0] =	vst v0  }
0x1f0: {  	[tilespmem:s20+$0xC0] =	vst v0  }
0x1f1: {  	[tilespmem:s20+$0xB0] =	vst v0  }
0x1f2: {  	[tilespmem:s20+$0xA0] =	vst v0  }
0x1f3: {  	[tilespmem:s20+$0x90] =	vst v0  }
0x1f4: {  	[tilespmem:s20+$0x80] =	vst v0  }
0x1f5: {  	[tilespmem:s20+$0x70] =	vst v0  }
0x1f6: {  	[tilespmem:s20+$0x60] =	vst v0  }
0x1f7: {  	[tilespmem:s20+$0x50] =	vst v0  }
0x1f8: {  	[tilespmem:s20+$0x40] =	vst v0  }
0x1f9: {  	[tilespmem:s20+$0x30] =	vst v0  }
0x1fa: {  	[tilespmem:s20+$0x20] =	vst v0  }
0x1fb: {  	[tilespmem:s20+$0x10] =	vst v0  }
0x1fc: {  	[tilespmem:s20+$0x0] =	vst v0  }
0x1fd: {  	[tilespmem:s20+$0xFFFFFFF0] =	vst v0  }
0x1fe: {  	[tilespmem:s20+$0xFFFFFFE0] =	vst v0  }
0x1ff: {  	[tilespmem:s20+$0xFFFFFFD0] =	vst v0  }
0x200: {  	[tilespmem:s20+$0xFFFFFFC0] =	vst v0  }
0x201: {  	[tilespmem:s20+$0xFFFFFFB0] =	vst v0  }
0x202: {  	[tilespmem:s20+$0xFFFFFFA0] =	vst v0  }
0x203: {  	[tilespmem:s20+$0xFFFFFF90] =	vst v0  }
0x204: {  	[tilespmem:s20+$0xFFFFFF80] =	vst v0  }
0x205: {  	[tilespmem:s20+$0xFFFFFF70] =	vst v0  }
0x206: {  	[tilespmem:s20+$0xFFFFFF60] =	vst v0  }
0x207: {  	[tilespmem:s20+$0xFFFFFF50] =	vst v0  }
0x208: {  	[tilespmem:s20+$0xFFFFFF40] =	vst v0  }
0x209: {  	[tilespmem:s20+$0xFFFFFF30] =	vst v0  }
0x20a: {  	[tilespmem:s20+$0xFFFFFF20] =	vst v0  }
0x20b: {  	[tilespmem:s20+$0xFFFFFF10] =	vst v0  }
0x20c: {  	[tilespmem:s20+$0xFFFFFF00] =	vst v0  }
0x20d: {  	[tilespmem:s20+$0xFFFFFEF0] =	vst v0  }
0x20e: {  	[tilespmem:s20+$0xFFFFFEE0] =	vst v0  }
0x20f: {  	[tilespmem:s20+$0xFFFFFED0] =	vst v0  }
0x210: {  	[tilespmem:s20+$0xFFFFFEC0] =	vst v0  }
0x211: {  	[tilespmem:s20+$0xFFFFFEB0] =	vst v0  }
0x212: {  	[tilespmem:s20+$0xFFFFFEA0] =	vst v0  }
0x213: {  	[tilespmem:s20+$0xFFFFFE90] =	vst v0  }
0x214: {  	[tilespmem:s20+$0xFFFFFE80] =	vst v0  }
0x215: {  	[tilespmem:s20+$0xFFFFFE70] =	vst v0  }
.Ltmp2:
0x216: {  	[tilespmem:s20+$0xFFFFFE60] =	vst v0;
	(pc) =	sbr.rel @p0 .LBB2_7-.Ltmp2, $4  }
0x217: {  	[tilespmem:s20+$0xFFFFFE50] =	vst v0  }
0x218: {  	[tilespmem:s20+$0xFFFFFE40] =	vst v0  }
0x219: {  	[tilespmem:s20+$0xFFFFFE30] =	vst v0  }
0x21a: {  	[tilespmem:s20+$0xFFFFFE20] =	vst v0  }
0x21b: {  	[tilespmem:s20+$0xFFFFFE10] =	vst v0  }
0x21c: {  	_ =	swait.ge [sflag:s26], $0x800  }
0x21d: {  	[sflag:s26] =	ssyncset.done $0x0  }
0x21e: {  	[sflag:s26] =	ssyncadd.s32 $0xFFFFF800  }
0x21f: {  	_ =	swait.ge [sflag:s28], $0x800  }
0x220: {  	[sflag:s28] =	ssyncset.done $0x0  }
0x221: {  	s20 =	simm.s32 $0x0;
	p0 =	por $0x1, $0x1;
	[sflag:s28] =	ssyncadd.s32 $0xFFFFF800  }
.LBB2_9:
0x222: {  	v2 =	vld [tilespmem:s20+$0x1800]  }
0x223: {  	v4 =	vld [tilespmem:s20+$0x1820]  }
0x224: {  	v5 =	vld [tilespmem:s20+$0x1830]  }
0x225: {  	v3 =	vld [tilespmem:s20+$0x1810];
	_ =	sdelay $0x4  }
0x226: {  	v6 =	vld.idx.msk [tilespmem:v2+s16+$0x0], $0xffff  }
0x227: {  	v8 =	vld.idx.msk [tilespmem:v4+s16+$0x0], $0xffff  }
0x228: {  	v9 =	vld.idx.msk [tilespmem:v5+s16+$0x0], $0xffff  }
0x229: {  	v7 =	vld.idx.msk [tilespmem:v3+s16+$0x0], $0xffff;
	_ =	sdelay $0x1  }
0x22a: {  	s21 =	sor.u32 $0x20, s20;
	v2 =	vor.u32 s20, v1;
	v3 =	vshll.u32 v6, $0x7  }
0x22b: {  	v53 =	vld [tilespmem:s20+$0x800];
	s22 =	sor.u32 $0x30, s20;
	v56 =	vor.u32 s21, v1;
	v57 =	vshll.u32 v8, $0x7;
	v10 =	vor.u32 v2, v3  }
0x22c: {  	s6 =	sor.u32 $0x10, s20;
	v58 =	vld [tilespmem:s20+$0x820];
	v59 =	vor.u32 s22, v1;
	v9 =	vshll.u32 v9, $0x7;
	v12 =	vor.u32 v56, v57  }
0x22d: {  	v13 =	vld [tilespmem:s20+$0x830];
	v54 =	vshll.u32 v7, $0x7;
	v3 =	vor.u32 s6, v1;
	v9 =	vor.u32 v59, v9  }
0x22e: {  	v55 =	vld [tilespmem:s20+$0x810];
	v11 =	vor.u32 v3, v54;
	_ =	sdelay $0x1  }
0x22f: {  	[tilespmem:v10+s29+$0x0] =	vst.idx.msk $0xffff, v53  }
0x230: {  	[tilespmem:v12+s29+$0x0] =	vst.idx.msk $0xffff, v58;
	v6 =	vld [tilespmem:s20+$0x1880]  }
0x231: {  	[tilespmem:v9+s29+$0x0] =	vst.idx.msk $0xffff, v13;
	v8 =	vld [tilespmem:s20+$0x18A0]  }
0x232: {  	[tilespmem:v11+s29+$0x0] =	vst.idx.msk $0xffff, v55;
	v9 =	vld [tilespmem:s20+$0x18B0]  }
0x233: {  	v7 =	vld [tilespmem:s20+$0x1890];
	_ =	sdelay $0x4  }
0x234: {  	v6 =	vld.idx.msk [tilespmem:v6+s16+$0x0], $0xffff  }
0x235: {  	v8 =	vld.idx.msk [tilespmem:v8+s16+$0x0], $0xffff  }
0x236: {  	v9 =	vld.idx.msk [tilespmem:v9+s16+$0x0], $0xffff  }
0x237: {  	v7 =	vld.idx.msk [tilespmem:v7+s16+$0x0], $0xffff;
	_ =	sdelay $0x1  }
0x238: {  	v6 =	vshll.u32 v6, $0x7  }
0x239: {  	v10 =	vld [tilespmem:s20+$0x880];
	v8 =	vshll.u32 v8, $0x7;
	v6 =	vor.u32 v2, v6  }
0x23a: {  	v12 =	vld [tilespmem:s20+$0x8A0];
	v9 =	vshll.u32 v9, $0x7;
	v8 =	vor.u32 v56, v8  }
0x23b: {  	v13 =	vld [tilespmem:s20+$0x8B0];
	v7 =	vshll.u32 v7, $0x7;
	v9 =	vor.u32 v59, v9  }
0x23c: {  	v11 =	vld [tilespmem:s20+$0x890];
	v7 =	vor.u32 v3, v7;
	_ =	sdelay $0x1  }
0x23d: {  	[tilespmem:v6+s29+$0x0] =	vst.idx.msk $0xffff, v10  }
0x23e: {  	[tilespmem:v8+s29+$0x0] =	vst.idx.msk $0xffff, v12;
	v6 =	vld [tilespmem:s20+$0x1900]  }
0x23f: {  	[tilespmem:v9+s29+$0x0] =	vst.idx.msk $0xffff, v13;
	v8 =	vld [tilespmem:s20+$0x1920]  }
0x240: {  	[tilespmem:v7+s29+$0x0] =	vst.idx.msk $0xffff, v11;
	v9 =	vld [tilespmem:s20+$0x1930]  }
0x241: {  	v7 =	vld [tilespmem:s20+$0x1910];
	_ =	sdelay $0x4  }
0x242: {  	v6 =	vld.idx.msk [tilespmem:v6+s16+$0x0], $0xffff  }
0x243: {  	v8 =	vld.idx.msk [tilespmem:v8+s16+$0x0], $0xffff  }
0x244: {  	v9 =	vld.idx.msk [tilespmem:v9+s16+$0x0], $0xffff  }
0x245: {  	v7 =	vld.idx.msk [tilespmem:v7+s16+$0x0], $0xffff;
	_ =	sdelay $0x1  }
0x246: {  	v6 =	vshll.u32 v6, $0x7  }
0x247: {  	v10 =	vld [tilespmem:s20+$0x900];
	v8 =	vshll.u32 v8, $0x7;
	v6 =	vor.u32 v2, v6  }
0x248: {  	v12 =	vld [tilespmem:s20+$0x920];
	v9 =	vshll.u32 v9, $0x7;
	v8 =	vor.u32 v56, v8  }
0x249: {  	v13 =	vld [tilespmem:s20+$0x930];
	v7 =	vshll.u32 v7, $0x7;
	v9 =	vor.u32 v59, v9  }
0x24a: {  	v11 =	vld [tilespmem:s20+$0x910];
	v7 =	vor.u32 v3, v7;
	_ =	sdelay $0x1  }
0x24b: {  	[tilespmem:v6+s29+$0x0] =	vst.idx.msk $0xffff, v10  }
0x24c: {  	[tilespmem:v8+s29+$0x0] =	vst.idx.msk $0xffff, v12;
	v6 =	vld [tilespmem:s20+$0x1980]  }
0x24d: {  	[tilespmem:v9+s29+$0x0] =	vst.idx.msk $0xffff, v13;
	v8 =	vld [tilespmem:s20+$0x19A0]  }
0x24e: {  	[tilespmem:v7+s29+$0x0] =	vst.idx.msk $0xffff, v11;
	v9 =	vld [tilespmem:s20+$0x19B0]  }
0x24f: {  	v7 =	vld [tilespmem:s20+$0x1990];
	_ =	sdelay $0x4  }
0x250: {  	v6 =	vld.idx.msk [tilespmem:v6+s16+$0x0], $0xffff  }
0x251: {  	v8 =	vld.idx.msk [tilespmem:v8+s16+$0x0], $0xffff  }
0x252: {  	v9 =	vld.idx.msk [tilespmem:v9+s16+$0x0], $0xffff  }
0x253: {  	v7 =	vld.idx.msk [tilespmem:v7+s16+$0x0], $0xffff;
	_ =	sdelay $0x1  }
0x254: {  	v6 =	vshll.u32 v6, $0x7  }
0x255: {  	v10 =	vld [tilespmem:s20+$0x980];
	v8 =	vshll.u32 v8, $0x7;
	v6 =	vor.u32 v2, v6  }
0x256: {  	v12 =	vld [tilespmem:s20+$0x9A0];
	v9 =	vshll.u32 v9, $0x7;
	v8 =	vor.u32 v56, v8  }
0x257: {  	v13 =	vld [tilespmem:s20+$0x9B0];
	v7 =	vshll.u32 v7, $0x7;
	v9 =	vor.u32 v59, v9  }
0x258: {  	v11 =	vld [tilespmem:s20+$0x990];
	v7 =	vor.u32 v3, v7;
	_ =	sdelay $0x1  }
0x259: {  	[tilespmem:v6+s29+$0x0] =	vst.idx.msk $0xffff, v10  }
0x25a: {  	[tilespmem:v8+s29+$0x0] =	vst.idx.msk $0xffff, v12;
	v6 =	vld [tilespmem:s20+$0x1A00]  }
0x25b: {  	[tilespmem:v9+s29+$0x0] =	vst.idx.msk $0xffff, v13;
	v8 =	vld [tilespmem:s20+$0x1A20]  }
0x25c: {  	[tilespmem:v7+s29+$0x0] =	vst.idx.msk $0xffff, v11;
	v9 =	vld [tilespmem:s20+$0x1A30]  }
0x25d: {  	v7 =	vld [tilespmem:s20+$0x1A10];
	_ =	sdelay $0x4  }
0x25e: {  	v6 =	vld.idx.msk [tilespmem:v6+s16+$0x0], $0xffff  }
0x25f: {  	v8 =	vld.idx.msk [tilespmem:v8+s16+$0x0], $0xffff  }
0x260: {  	v9 =	vld.idx.msk [tilespmem:v9+s16+$0x0], $0xffff  }
0x261: {  	v7 =	vld.idx.msk [tilespmem:v7+s16+$0x0], $0xffff;
	_ =	sdelay $0x1  }
0x262: {  	v6 =	vshll.u32 v6, $0x7  }
0x263: {  	v10 =	vld [tilespmem:s20+$0xA00];
	v8 =	vshll.u32 v8, $0x7;
	v6 =	vor.u32 v2, v6  }
0x264: {  	v12 =	vld [tilespmem:s20+$0xA20];
	v9 =	vshll.u32 v9, $0x7;
	v8 =	vor.u32 v56, v8  }
0x265: {  	v13 =	vld [tilespmem:s20+$0xA30];
	v7 =	vshll.u32 v7, $0x7;
	v9 =	vor.u32 v59, v9  }
0x266: {  	v11 =	vld [tilespmem:s20+$0xA10];
	v7 =	vor.u32 v3, v7;
	_ =	sdelay $0x1  }
0x267: {  	[tilespmem:v6+s29+$0x0] =	vst.idx.msk $0xffff, v10  }
0x268: {  	[tilespmem:v8+s29+$0x0] =	vst.idx.msk $0xffff, v12;
	v6 =	vld [tilespmem:s20+$0x1A80]  }
0x269: {  	[tilespmem:v9+s29+$0x0] =	vst.idx.msk $0xffff, v13;
	v8 =	vld [tilespmem:s20+$0x1AA0]  }
0x26a: {  	[tilespmem:v7+s29+$0x0] =	vst.idx.msk $0xffff, v11;
	v9 =	vld [tilespmem:s20+$0x1AB0]  }
0x26b: {  	v7 =	vld [tilespmem:s20+$0x1A90];
	_ =	sdelay $0x4  }
0x26c: {  	v6 =	vld.idx.msk [tilespmem:v6+s16+$0x0], $0xffff  }
0x26d: {  	v8 =	vld.idx.msk [tilespmem:v8+s16+$0x0], $0xffff  }
0x26e: {  	v9 =	vld.idx.msk [tilespmem:v9+s16+$0x0], $0xffff  }
0x26f: {  	v7 =	vld.idx.msk [tilespmem:v7+s16+$0x0], $0xffff;
	_ =	sdelay $0x1  }
0x270: {  	v6 =	vshll.u32 v6, $0x7  }
0x271: {  	v10 =	vld [tilespmem:s20+$0xA80];
	v8 =	vshll.u32 v8, $0x7;
	v6 =	vor.u32 v2, v6  }
0x272: {  	v12 =	vld [tilespmem:s20+$0xAA0];
	v9 =	vshll.u32 v9, $0x7;
	v8 =	vor.u32 v56, v8  }
0x273: {  	v13 =	vld [tilespmem:s20+$0xAB0];
	v7 =	vshll.u32 v7, $0x7;
	v9 =	vor.u32 v59, v9  }
0x274: {  	v11 =	vld [tilespmem:s20+$0xA90];
	v7 =	vor.u32 v3, v7;
	_ =	sdelay $0x1  }
0x275: {  	[tilespmem:v6+s29+$0x0] =	vst.idx.msk $0xffff, v10  }
0x276: {  	[tilespmem:v8+s29+$0x0] =	vst.idx.msk $0xffff, v12;
	v6 =	vld [tilespmem:s20+$0x1B00]  }
0x277: {  	[tilespmem:v9+s29+$0x0] =	vst.idx.msk $0xffff, v13;
	v8 =	vld [tilespmem:s20+$0x1B20]  }
0x278: {  	[tilespmem:v7+s29+$0x0] =	vst.idx.msk $0xffff, v11;
	v9 =	vld [tilespmem:s20+$0x1B30]  }
0x279: {  	v7 =	vld [tilespmem:s20+$0x1B10];
	_ =	sdelay $0x4  }
0x27a: {  	v6 =	vld.idx.msk [tilespmem:v6+s16+$0x0], $0xffff  }
0x27b: {  	v8 =	vld.idx.msk [tilespmem:v8+s16+$0x0], $0xffff  }
0x27c: {  	v9 =	vld.idx.msk [tilespmem:v9+s16+$0x0], $0xffff  }
0x27d: {  	v7 =	vld.idx.msk [tilespmem:v7+s16+$0x0], $0xffff;
	_ =	sdelay $0x1  }
0x27e: {  	v6 =	vshll.u32 v6, $0x7  }
0x27f: {  	v10 =	vld [tilespmem:s20+$0xB00];
	v8 =	vshll.u32 v8, $0x7;
	v6 =	vor.u32 v2, v6  }
0x280: {  	v12 =	vld [tilespmem:s20+$0xB20];
	v9 =	vshll.u32 v9, $0x7;
	v8 =	vor.u32 v56, v8  }
0x281: {  	v13 =	vld [tilespmem:s20+$0xB30];
	v7 =	vshll.u32 v7, $0x7;
	v9 =	vor.u32 v59, v9  }
0x282: {  	v11 =	vld [tilespmem:s20+$0xB10];
	v7 =	vor.u32 v3, v7;
	_ =	sdelay $0x1  }
0x283: {  	[tilespmem:v6+s29+$0x0] =	vst.idx.msk $0xffff, v10  }
0x284: {  	[tilespmem:v8+s29+$0x0] =	vst.idx.msk $0xffff, v12;
	v6 =	vld [tilespmem:s20+$0x1B80]  }
0x285: {  	[tilespmem:v9+s29+$0x0] =	vst.idx.msk $0xffff, v13;
	v8 =	vld [tilespmem:s20+$0x1BA0]  }
0x286: {  	[tilespmem:v7+s29+$0x0] =	vst.idx.msk $0xffff, v11;
	v9 =	vld [tilespmem:s20+$0x1BB0]  }
0x287: {  	v7 =	vld [tilespmem:s20+$0x1B90];
	_ =	sdelay $0x4  }
0x288: {  	v6 =	vld.idx.msk [tilespmem:v6+s16+$0x0], $0xffff  }
0x289: {  	v8 =	vld.idx.msk [tilespmem:v8+s16+$0x0], $0xffff  }
0x28a: {  	v9 =	vld.idx.msk [tilespmem:v9+s16+$0x0], $0xffff  }
0x28b: {  	v7 =	vld.idx.msk [tilespmem:v7+s16+$0x0], $0xffff;
	_ =	sdelay $0x1  }
0x28c: {  	v6 =	vshll.u32 v6, $0x7  }
0x28d: {  	v10 =	vld [tilespmem:s20+$0xB80];
	v8 =	vshll.u32 v8, $0x7;
	v6 =	vor.u32 v2, v6  }
0x28e: {  	v12 =	vld [tilespmem:s20+$0xBA0];
	v9 =	vshll.u32 v9, $0x7;
	v8 =	vor.u32 v56, v8  }
0x28f: {  	v13 =	vld [tilespmem:s20+$0xBB0];
	v7 =	vshll.u32 v7, $0x7;
	v9 =	vor.u32 v59, v9  }
0x290: {  	v11 =	vld [tilespmem:s20+$0xB90];
	v7 =	vor.u32 v3, v7;
	_ =	sdelay $0x1  }
0x291: {  	[tilespmem:v6+s29+$0x0] =	vst.idx.msk $0xffff, v10  }
0x292: {  	[tilespmem:v8+s29+$0x0] =	vst.idx.msk $0xffff, v12;
	v6 =	vld [tilespmem:s20+$0x1C00]  }
0x293: {  	[tilespmem:v9+s29+$0x0] =	vst.idx.msk $0xffff, v13;
	v8 =	vld [tilespmem:s20+$0x1C20]  }
0x294: {  	[tilespmem:v7+s29+$0x0] =	vst.idx.msk $0xffff, v11;
	v9 =	vld [tilespmem:s20+$0x1C30]  }
0x295: {  	v7 =	vld [tilespmem:s20+$0x1C10];
	_ =	sdelay $0x4  }
0x296: {  	v6 =	vld.idx.msk [tilespmem:v6+s16+$0x0], $0xffff  }
0x297: {  	v8 =	vld.idx.msk [tilespmem:v8+s16+$0x0], $0xffff  }
0x298: {  	v9 =	vld.idx.msk [tilespmem:v9+s16+$0x0], $0xffff  }
0x299: {  	v7 =	vld.idx.msk [tilespmem:v7+s16+$0x0], $0xffff;
	_ =	sdelay $0x1  }
0x29a: {  	v6 =	vshll.u32 v6, $0x7  }
0x29b: {  	v10 =	vld [tilespmem:s20+$0xC00];
	v8 =	vshll.u32 v8, $0x7;
	v6 =	vor.u32 v2, v6  }
0x29c: {  	v12 =	vld [tilespmem:s20+$0xC20];
	v9 =	vshll.u32 v9, $0x7;
	v8 =	vor.u32 v56, v8  }
0x29d: {  	v13 =	vld [tilespmem:s20+$0xC30];
	v7 =	vshll.u32 v7, $0x7;
	v9 =	vor.u32 v59, v9  }
0x29e: {  	v11 =	vld [tilespmem:s20+$0xC10];
	v7 =	vor.u32 v3, v7;
	_ =	sdelay $0x1  }
0x29f: {  	[tilespmem:v6+s29+$0x0] =	vst.idx.msk $0xffff, v10  }
0x2a0: {  	[tilespmem:v8+s29+$0x0] =	vst.idx.msk $0xffff, v12;
	v6 =	vld [tilespmem:s20+$0x1C80]  }
0x2a1: {  	[tilespmem:v9+s29+$0x0] =	vst.idx.msk $0xffff, v13;
	v8 =	vld [tilespmem:s20+$0x1CA0]  }
0x2a2: {  	[tilespmem:v7+s29+$0x0] =	vst.idx.msk $0xffff, v11;
	v9 =	vld [tilespmem:s20+$0x1CB0]  }
0x2a3: {  	v7 =	vld [tilespmem:s20+$0x1C90];
	_ =	sdelay $0x4  }
0x2a4: {  	v6 =	vld.idx.msk [tilespmem:v6+s16+$0x0], $0xffff  }
0x2a5: {  	v8 =	vld.idx.msk [tilespmem:v8+s16+$0x0], $0xffff  }
0x2a6: {  	v9 =	vld.idx.msk [tilespmem:v9+s16+$0x0], $0xffff  }
0x2a7: {  	v7 =	vld.idx.msk [tilespmem:v7+s16+$0x0], $0xffff;
	_ =	sdelay $0x1  }
0x2a8: {  	v6 =	vshll.u32 v6, $0x7  }
0x2a9: {  	v10 =	vld [tilespmem:s20+$0xC80];
	v8 =	vshll.u32 v8, $0x7;
	v6 =	vor.u32 v2, v6  }
0x2aa: {  	v12 =	vld [tilespmem:s20+$0xCA0];
	v9 =	vshll.u32 v9, $0x7;
	v8 =	vor.u32 v56, v8  }
0x2ab: {  	v13 =	vld [tilespmem:s20+$0xCB0];
	v7 =	vshll.u32 v7, $0x7;
	v9 =	vor.u32 v59, v9  }
0x2ac: {  	v11 =	vld [tilespmem:s20+$0xC90];
	v7 =	vor.u32 v3, v7;
	_ =	sdelay $0x1  }
0x2ad: {  	[tilespmem:v6+s29+$0x0] =	vst.idx.msk $0xffff, v10  }
0x2ae: {  	[tilespmem:v8+s29+$0x0] =	vst.idx.msk $0xffff, v12;
	v6 =	vld [tilespmem:s20+$0x1D00]  }
0x2af: {  	[tilespmem:v9+s29+$0x0] =	vst.idx.msk $0xffff, v13;
	v8 =	vld [tilespmem:s20+$0x1D20]  }
0x2b0: {  	[tilespmem:v7+s29+$0x0] =	vst.idx.msk $0xffff, v11;
	v9 =	vld [tilespmem:s20+$0x1D30]  }
0x2b1: {  	v7 =	vld [tilespmem:s20+$0x1D10];
	_ =	sdelay $0x4  }
0x2b2: {  	v6 =	vld.idx.msk [tilespmem:v6+s16+$0x0], $0xffff  }
0x2b3: {  	v8 =	vld.idx.msk [tilespmem:v8+s16+$0x0], $0xffff  }
0x2b4: {  	v9 =	vld.idx.msk [tilespmem:v9+s16+$0x0], $0xffff  }
0x2b5: {  	v7 =	vld.idx.msk [tilespmem:v7+s16+$0x0], $0xffff;
	_ =	sdelay $0x1  }
0x2b6: {  	v6 =	vshll.u32 v6, $0x7  }
0x2b7: {  	v10 =	vld [tilespmem:s20+$0xD00];
	v8 =	vshll.u32 v8, $0x7;
	v6 =	vor.u32 v2, v6  }
0x2b8: {  	v12 =	vld [tilespmem:s20+$0xD20];
	v9 =	vshll.u32 v9, $0x7;
	v8 =	vor.u32 v56, v8  }
0x2b9: {  	v13 =	vld [tilespmem:s20+$0xD30];
	v7 =	vshll.u32 v7, $0x7;
	v9 =	vor.u32 v59, v9  }
0x2ba: {  	v11 =	vld [tilespmem:s20+$0xD10];
	v7 =	vor.u32 v3, v7;
	_ =	sdelay $0x1  }
0x2bb: {  	[tilespmem:v6+s29+$0x0] =	vst.idx.msk $0xffff, v10  }
0x2bc: {  	[tilespmem:v8+s29+$0x0] =	vst.idx.msk $0xffff, v12;
	v6 =	vld [tilespmem:s20+$0x1D80]  }
0x2bd: {  	[tilespmem:v9+s29+$0x0] =	vst.idx.msk $0xffff, v13;
	v8 =	vld [tilespmem:s20+$0x1DA0]  }
0x2be: {  	[tilespmem:v7+s29+$0x0] =	vst.idx.msk $0xffff, v11;
	v9 =	vld [tilespmem:s20+$0x1DB0]  }
0x2bf: {  	v7 =	vld [tilespmem:s20+$0x1D90];
	_ =	sdelay $0x4  }
0x2c0: {  	v6 =	vld.idx.msk [tilespmem:v6+s16+$0x0], $0xffff  }
0x2c1: {  	v8 =	vld.idx.msk [tilespmem:v8+s16+$0x0], $0xffff  }
0x2c2: {  	v9 =	vld.idx.msk [tilespmem:v9+s16+$0x0], $0xffff  }
0x2c3: {  	v7 =	vld.idx.msk [tilespmem:v7+s16+$0x0], $0xffff;
	_ =	sdelay $0x1  }
0x2c4: {  	v6 =	vshll.u32 v6, $0x7  }
0x2c5: {  	v10 =	vld [tilespmem:s20+$0xD80];
	v8 =	vshll.u32 v8, $0x7;
	v6 =	vor.u32 v2, v6  }
0x2c6: {  	v12 =	vld [tilespmem:s20+$0xDA0];
	v9 =	vshll.u32 v9, $0x7;
	v8 =	vor.u32 v56, v8  }
0x2c7: {  	v13 =	vld [tilespmem:s20+$0xDB0];
	v7 =	vshll.u32 v7, $0x7;
	v9 =	vor.u32 v59, v9  }
0x2c8: {  	v11 =	vld [tilespmem:s20+$0xD90];
	v7 =	vor.u32 v3, v7;
	_ =	sdelay $0x1  }
0x2c9: {  	[tilespmem:v6+s29+$0x0] =	vst.idx.msk $0xffff, v10  }
0x2ca: {  	[tilespmem:v8+s29+$0x0] =	vst.idx.msk $0xffff, v12;
	v6 =	vld [tilespmem:s20+$0x1E00]  }
0x2cb: {  	[tilespmem:v9+s29+$0x0] =	vst.idx.msk $0xffff, v13;
	v8 =	vld [tilespmem:s20+$0x1E20]  }
0x2cc: {  	[tilespmem:v7+s29+$0x0] =	vst.idx.msk $0xffff, v11;
	v9 =	vld [tilespmem:s20+$0x1E30]  }
0x2cd: {  	v7 =	vld [tilespmem:s20+$0x1E10];
	_ =	sdelay $0x4  }
0x2ce: {  	v6 =	vld.idx.msk [tilespmem:v6+s16+$0x0], $0xffff  }
0x2cf: {  	v8 =	vld.idx.msk [tilespmem:v8+s16+$0x0], $0xffff  }
0x2d0: {  	v9 =	vld.idx.msk [tilespmem:v9+s16+$0x0], $0xffff  }
0x2d1: {  	v7 =	vld.idx.msk [tilespmem:v7+s16+$0x0], $0xffff;
	_ =	sdelay $0x1  }
0x2d2: {  	v6 =	vshll.u32 v6, $0x7  }
0x2d3: {  	v10 =	vld [tilespmem:s20+$0xE00];
	v8 =	vshll.u32 v8, $0x7;
	v6 =	vor.u32 v2, v6  }
0x2d4: {  	v12 =	vld [tilespmem:s20+$0xE20];
	v9 =	vshll.u32 v9, $0x7;
	v8 =	vor.u32 v56, v8  }
0x2d5: {  	v13 =	vld [tilespmem:s20+$0xE30];
	v7 =	vshll.u32 v7, $0x7;
	v9 =	vor.u32 v59, v9  }
0x2d6: {  	v11 =	vld [tilespmem:s20+$0xE10];
	v7 =	vor.u32 v3, v7;
	_ =	sdelay $0x1  }
0x2d7: {  	[tilespmem:v6+s29+$0x0] =	vst.idx.msk $0xffff, v10  }
0x2d8: {  	[tilespmem:v8+s29+$0x0] =	vst.idx.msk $0xffff, v12;
	v6 =	vld [tilespmem:s20+$0x1E80]  }
0x2d9: {  	[tilespmem:v9+s29+$0x0] =	vst.idx.msk $0xffff, v13;
	v8 =	vld [tilespmem:s20+$0x1EA0]  }
0x2da: {  	[tilespmem:v7+s29+$0x0] =	vst.idx.msk $0xffff, v11;
	v9 =	vld [tilespmem:s20+$0x1EB0]  }
0x2db: {  	v7 =	vld [tilespmem:s20+$0x1E90];
	_ =	sdelay $0x4  }
0x2dc: {  	v6 =	vld.idx.msk [tilespmem:v6+s16+$0x0], $0xffff  }
0x2dd: {  	v8 =	vld.idx.msk [tilespmem:v8+s16+$0x0], $0xffff  }
0x2de: {  	v9 =	vld.idx.msk [tilespmem:v9+s16+$0x0], $0xffff  }
0x2df: {  	v7 =	vld.idx.msk [tilespmem:v7+s16+$0x0], $0xffff;
	_ =	sdelay $0x1  }
0x2e0: {  	v6 =	vshll.u32 v6, $0x7  }
0x2e1: {  	v10 =	vld [tilespmem:s20+$0xE80];
	v8 =	vshll.u32 v8, $0x7;
	v6 =	vor.u32 v2, v6  }
0x2e2: {  	v12 =	vld [tilespmem:s20+$0xEA0];
	v9 =	vshll.u32 v9, $0x7;
	v8 =	vor.u32 v56, v8  }
0x2e3: {  	v13 =	vld [tilespmem:s20+$0xEB0];
	v7 =	vshll.u32 v7, $0x7;
	v9 =	vor.u32 v59, v9  }
0x2e4: {  	v11 =	vld [tilespmem:s20+$0xE90];
	v7 =	vor.u32 v3, v7;
	_ =	sdelay $0x1  }
0x2e5: {  	[tilespmem:v6+s29+$0x0] =	vst.idx.msk $0xffff, v10  }
0x2e6: {  	[tilespmem:v8+s29+$0x0] =	vst.idx.msk $0xffff, v12;
	v6 =	vld [tilespmem:s20+$0x1F00]  }
0x2e7: {  	[tilespmem:v9+s29+$0x0] =	vst.idx.msk $0xffff, v13;
	v8 =	vld [tilespmem:s20+$0x1F20]  }
0x2e8: {  	[tilespmem:v7+s29+$0x0] =	vst.idx.msk $0xffff, v11;
	v9 =	vld [tilespmem:s20+$0x1F30]  }
0x2e9: {  	v7 =	vld [tilespmem:s20+$0x1F10];
	_ =	sdelay $0x4  }
0x2ea: {  	v6 =	vld.idx.msk [tilespmem:v6+s16+$0x0], $0xffff  }
0x2eb: {  	v8 =	vld.idx.msk [tilespmem:v8+s16+$0x0], $0xffff  }
0x2ec: {  	v9 =	vld.idx.msk [tilespmem:v9+s16+$0x0], $0xffff  }
0x2ed: {  	v7 =	vld.idx.msk [tilespmem:v7+s16+$0x0], $0xffff;
	_ =	sdelay $0x1  }
0x2ee: {  	v6 =	vshll.u32 v6, $0x7  }
0x2ef: {  	v10 =	vld [tilespmem:s20+$0xF00];
	v8 =	vshll.u32 v8, $0x7;
	v6 =	vor.u32 v2, v6  }
0x2f0: {  	v12 =	vld [tilespmem:s20+$0xF20];
	v9 =	vshll.u32 v9, $0x7;
	v8 =	vor.u32 v56, v8  }
0x2f1: {  	v13 =	vld [tilespmem:s20+$0xF30];
	v7 =	vshll.u32 v7, $0x7;
	v9 =	vor.u32 v59, v9  }
0x2f2: {  	v11 =	vld [tilespmem:s20+$0xF10];
	v7 =	vor.u32 v3, v7;
	_ =	sdelay $0x1  }
0x2f3: {  	[tilespmem:v6+s29+$0x0] =	vst.idx.msk $0xffff, v10  }
0x2f4: {  	[tilespmem:v8+s29+$0x0] =	vst.idx.msk $0xffff, v12;
	v6 =	vld [tilespmem:s20+$0x1F80]  }
0x2f5: {  	[tilespmem:v9+s29+$0x0] =	vst.idx.msk $0xffff, v13;
	v8 =	vld [tilespmem:s20+$0x1FA0]  }
0x2f6: {  	[tilespmem:v7+s29+$0x0] =	vst.idx.msk $0xffff, v11;
	v9 =	vld [tilespmem:s20+$0x1FB0]  }
0x2f7: {  	v7 =	vld [tilespmem:s20+$0x1F90];
	_ =	sdelay $0x4  }
0x2f8: {  	v6 =	vld.idx.msk [tilespmem:v6+s16+$0x0], $0xffff  }
0x2f9: {  	v8 =	vld.idx.msk [tilespmem:v8+s16+$0x0], $0xffff  }
0x2fa: {  	v9 =	vld.idx.msk [tilespmem:v9+s16+$0x0], $0xffff  }
0x2fb: {  	v7 =	vld.idx.msk [tilespmem:v7+s16+$0x0], $0xffff;
	_ =	sdelay $0x1  }
0x2fc: {  	v6 =	vshll.u32 v6, $0x7  }
0x2fd: {  	v60 =	vld [tilespmem:s20+$0xF80];
	v8 =	vshll.u32 v8, $0x7;
	v2 =	vor.u32 v2, v6  }
0x2fe: {  	v62 =	vld [tilespmem:s20+$0xFA0];
	v9 =	vshll.u32 v9, $0x7;
	v4 =	vor.u32 v56, v8  }
0x2ff: {  	v63 =	vld [tilespmem:s20+$0xFB0];
	v7 =	vshll.u32 v7, $0x7;
	v5 =	vor.u32 v59, v9  }
0x300: {  	p2 =	por p0, p0;
	v61 =	vld [tilespmem:s20+$0xF90];
	v3 =	vor.u32 v3, v7  }
.Ltmp3:
0x301: {  	_ = 	snop;
	(pc) =	sbr.rel @p2 .LBB2_9-.Ltmp3, $4  }
0x302: {  	[tilespmem:v2+s29+$0x0] =	vst.idx.msk $0xffff, v60  }
0x303: {  	[tilespmem:v4+s29+$0x0] =	vst.idx.msk $0xffff, v62  }
0x304: {  	[tilespmem:v5+s29+$0x0] =	vst.idx.msk $0xffff, v63  }
0x305: {  	p0 =	por $0x0, $0x0;
	s20 =	simm.s32 $0x40;
	[tilespmem:v3+s29+$0x0] =	vst.idx.msk $0xffff, v61  }
0x306: {  	s6 =	sadd.s32 @!p1 s4, s13;
	s20 =	simm.s32 @!p1 $0x200  }
0x307: {  	s21 =	simm.s32 @!p1 $0xC00;
	s0 =	sadd.s32 $0x1, s0;
	s6 =	sshrl.u32 @!p1 s6, $0x3  }
0x308: {  	s22 =	simm.s32 @!p1 $0x800;
	p0 =	sne.s32 s0, $0x6;
	s7 =	sadd.s32 @!p1 s1, s6  }
0x309: {  	[tilespmem:s22], [sflag:$0x2] =	stream.strided.gather @!p1 [hbm4b:s7+s20], $0x800, s21, s20, $0x38;
	[tilespmem:$0x9880] =	vst v63  }
.Ltmp4:
0x30a: {  	s22 =	sadd.s32 s14, s4;
	(pc) =	sbr.rel @p0 .LBB2_2-.Ltmp4, $4  }
0x30b: {  	s6 =	sadd.s32 @!p1 s2, s6;
	s7 =	simm.s32 @!p1 $0x1800;
	s4 =	sshrl.u32 s22, $0x3  }
0x30c: {  	[tilespmem:s7], [sflag:$0x4] =	stream.strided.gather @!p1 [hbm4b:s6+s20], $0x800, s21, s20, $0x38;
	[tilespmem:$0x9880] =	vst v63  }
0x30d: {  	s4 =	sadd.s32 s5, s4  }
0x30e: {  	[hbm4b:s4+s18] =	stream.strided.scatter [tilespmem:s29], [sflag:$0x6], $0x3C00, s19, s18, $0x38;
	[tilespmem:$0x9880] =	vst v63  }
0x30f: {  	s3 =	sadd.s32 $0x1, s3  }
0x310: {  	_ =	swait.ge [sflag:s30], $0x3C00;
	p0 =	sne.s32 s3, s15  }
.Ltmp5:
0x311: {  	[sflag:s30] =	ssyncset.done $0x0;
	(pc) =	sbr.rel @p0 .LBB2_1-.Ltmp5, $4  }
0x312: {  	[sflag:s30] =	ssyncadd.s32 $0xFFFFC400  }
0x313: {  	_ =	swait.ge [sflag:s31], $0x3C00  }
0x314: {  	[sflag:s31] =	ssyncset.done $0x0  }
0x315: {  	[sflag:s31] =	ssyncadd.s32 $0xFFFFC400  }
0x316: {  	_ =	sfence.sel $0x180000  }
0x317: {  	[bflag:$0x0] =	sbarrier.arrive $0xFFFF  }
0x318: {  	_ =	strace $0x90000047  }
0x319: {  	s0 =	stileid.u32;
	[bflag:$0x2] =	sbarrier.arrive $0xFFFF  }
0x31a: {  	p0 =	sne.s32 s0, $0x0;
	s0 =	rddreg [dreg:$0x4]  }
0x31b: {  	s0 =	sadd.s32 @!p0 $0x100000, s0  }
0x31c: {  	[sflag:s0] =	ssyncadd.tile.s32 @!p0 $0x1;
	_ =	shalt  }
.Lfunc_end2:
_tile_overlayer_lowered:
.L_overlay_start_2:
0x31d: {  	(tag) =	ssettag $0x2  }
0x31e: {  	s0 =	rddreg [dreg:$0x0];
	s2 =	stileid.u32  }
0x31f: {  	s1 =	rddreg [dreg:$0x1];
	p0 =	sne.s32 s2, $0x0  }
0x320: {  	s3 =	rddreg [dreg:$0x2];
	[bflag:$0x3] =	sbarrier.arrive $0xFFFF;
	s2 =	simm.s32 @!p0 $0x1C07  }
0x321: {  	[timem:s3], [sflag:s2] =	dma.local @!p0 [hbm:s0], s1  }
0x322: {  	s0 =	simm.s32 @!p0 $0x7  }
0x323: {  	_ =	swait.ge @!p0 [sflag:s0], s1  }
0x324: {  	s1 =	ssub.s32 @!p0 $0x0, s1;
	[sflag:s0] =	ssyncset.done @!p0 $0x0  }
0x325: {  	[sflag:s0] =	ssyncadd.s32 @!p0 s1  }
0x326: {  	[bflag:$0x3] =	sbarrier.arrive $0xFFFF  }
0x327: {  	_ =	shalt  }

</sc_bundles>
